<compile_context>
chip_gen: v7x
topology: tpu7x:2x2x1
jax: 0.10.2.dev20260603
libtpu: 0.0.44.dev20260713+nightly
codegen_flags: <defaults>
</compile_context>

<pallas_src>
import functools

import jax
import jax.numpy as jnp
from jax import lax
from jax.experimental import pallas as pl
from jax.experimental.pallas import tpu as pltpu
from jax.experimental.pallas import tpu_sc as plsc

N = 10000
D = 128
E = 320000
EW = 128
NT = 16
NC = 2
EROWS = 2560
EROWS_C = EROWS // NC
ROWS_PER_TILE = EROWS_C // NT
T0_ROWS = 1888
T1_ROWS = 672
EPAD = EROWS * EW - E
NPAD = 10240
SEG = NPAD // NT
RB = 1000
EPS = 1e-5


def _sc_mesh():
    return plsc.VectorSubcoreMesh(core_axis_name="c", subcore_axis_name="s")


def _deg_sc(dst2):

    @functools.partial(
        pl.kernel,
        mesh=_sc_mesh(),
        out_type=jax.ShapeDtypeStruct((NC, NPAD), jnp.float32),
        scratch_types=[
            pltpu.VMEM((2, 1, EW), jnp.int32),
            pltpu.VMEM((EW,), jnp.float32),
            pltpu.VMEM((SEG,), jnp.float32),
            pltpu.VMEM_SHARED((NPAD,), jnp.float32),
            pltpu.SemaphoreType.DMA,
            pltpu.SemaphoreType.DMA,
        ],
    )
    def k(dst_hbm, deg_hbm, di_v, ones_v, z_v, deg_sh, isem0, isem1):
        c = lax.axis_index("c")
        s = lax.axis_index("s")
        isems = [isem0, isem1]
        base = c * EROWS_C + s
        z16 = jnp.zeros((16,), jnp.float32)

        @pl.loop(0, SEG // 16)
        def _(i):
            z_v[pl.ds(i * 16, 16)] = z16

        o16 = jnp.ones((16,), jnp.float32)

        @pl.loop(0, EW // 16)
        def _(i):
            ones_v[pl.ds(i * 16, 16)] = o16

        pltpu.sync_copy(z_v, deg_sh.at[pl.ds(s * SEG, SEG)])
        plsc.subcore_barrier()

        for b in range(2):
            pltpu.async_copy(dst_hbm.at[pl.ds(base + b * NT, 1)],
                             di_v.at[b], isems[b])

        @pl.loop(0, ROWS_PER_TILE // 2)
        def _(kk):
            for b in range(2):
                row = base + (2 * kk + b) * NT
                pltpu.make_async_copy(dst_hbm.at[pl.ds(row, 1)],
                                      di_v.at[b], isems[b]).wait()
                pltpu.sync_copy(ones_v, deg_sh.at[di_v.at[b, 0]], add=True)

                @pl.when(kk < ROWS_PER_TILE // 2 - 1)
                def _():
                    pltpu.async_copy(dst_hbm.at[pl.ds(row + 2 * NT, 1)],
                                     di_v.at[b], isems[b])

        plsc.subcore_barrier()
        pltpu.sync_copy(deg_sh.at[pl.ds(s * SEG, SEG)],
                        deg_hbm.at[c, pl.ds(s * SEG, SEG)])

    return k(dst2)


def _msg_sc(y, src2, dst2):

    @functools.partial(
        pl.kernel,
        mesh=_sc_mesh(),
        out_type=jax.ShapeDtypeStruct((NC, NPAD, D), jnp.float32),
        scratch_types=[
            pltpu.VMEM((2, 1, EW), jnp.int32),
            pltpu.VMEM((2, 1, EW), jnp.int32),
            pltpu.VMEM((2, EW, D), jnp.float32),
            pltpu.VMEM_SHARED((NPAD, D), jnp.float32),
            pltpu.SemaphoreType.DMA,
            pltpu.SemaphoreType.DMA,
            pltpu.SemaphoreType.DMA,
            pltpu.SemaphoreType.DMA,
        ],
    )
    def k(y_hbm, src_hbm, dst_hbm, acc_hbm, si_v, di_v, rows_v, acc_sh,
          isem0, isem1, gsem0, gsem1):
        c = lax.axis_index("c")
        s = lax.axis_index("s")
        isems = [isem0, isem1]
        gsems = [gsem0, gsem1]
        z16 = jnp.zeros((16,), jnp.float32)

        @pl.loop(0, EW)
        def _(r):
            for j in range(D // 16):
                rows_v[0, r, pl.ds(j * 16, 16)] = z16

        @pl.loop(0, SEG // EW)
        def _(t):
            pltpu.sync_copy(rows_v.at[0],
                            acc_sh.at[pl.ds(s * SEG + t * EW, EW)])

        plsc.subcore_barrier()

        def run_core(base, rows_per_tile):
            for b in range(2):
                pltpu.async_copy(src_hbm.at[pl.ds(base + b * NT, 1)],
                                 si_v.at[b], isems[b])
                pltpu.async_copy(dst_hbm.at[pl.ds(base + b * NT, 1)],
                                 di_v.at[b], isems[b])
            pltpu.make_async_copy(src_hbm.at[pl.ds(base, 1)],
                                  si_v.at[0], isems[0]).wait()
            pltpu.make_async_copy(dst_hbm.at[pl.ds(base, 1)],
                                  di_v.at[0], isems[0]).wait()
            pltpu.async_copy(y_hbm.at[si_v.at[0, 0]], rows_v.at[0], gsems[0])

            last = rows_per_tile // 2 - 1

            @pl.loop(0, rows_per_tile // 2)
            def _(kk):
                for b in range(2):
                    row = base + (2 * kk + b) * NT
                    o = 1 - b
                    pltpu.make_async_copy(y_hbm.at[si_v.at[b, 0]],
                                          rows_v.at[b], gsems[b]).wait()

                    def _next_gather():
                        nrow = row + NT
                        pltpu.make_async_copy(src_hbm.at[pl.ds(nrow, 1)],
                                              si_v.at[o], isems[o]).wait()
                        pltpu.make_async_copy(dst_hbm.at[pl.ds(nrow, 1)],
                                              di_v.at[o], isems[o]).wait()
                        pltpu.async_copy(y_hbm.at[si_v.at[o, 0]],
                                         rows_v.at[o], gsems[o])

                    if b == 0:
                        _next_gather()
                    else:
                        pl.when(kk < last)(_next_gather)

                    pltpu.sync_copy(rows_v.at[b], acc_sh.at[di_v.at[b, 0]],
                                    add=True)

                    @pl.when(kk < last)
                    def _():
                        nrow2 = row + 2 * NT
                        pltpu.async_copy(src_hbm.at[pl.ds(nrow2, 1)],
                                         si_v.at[b], isems[b])
                        pltpu.async_copy(dst_hbm.at[pl.ds(nrow2, 1)],
                                         di_v.at[b], isems[b])

        @pl.when(c == 0)
        def _():
            run_core(s, T0_ROWS // NT)

        @pl.when(c == 1)
        def _():
            run_core(T0_ROWS + s, T1_ROWS // NT)

        plsc.subcore_barrier()

        @pl.loop(0, SEG // EW)
        def _(t):
            o = s * SEG + t * EW
            pltpu.sync_copy(acc_sh.at[pl.ds(o, EW)],
                            acc_hbm.at[c, pl.ds(o, EW)])

    return k(y, src2, dst2)


def _ln_mm_tc(x, W, lnw, lnb):

    def body(x_ref, w_ref, g_ref, bb_ref, o_ref):
        xb = x_ref[...]
        mu = jnp.mean(xb, axis=-1, keepdims=True)
        var = jnp.mean((xb - mu) ** 2, axis=-1, keepdims=True)
        h = (xb - mu) * lax.rsqrt(var + EPS) * g_ref[...] + bb_ref[...]
        o_ref[...] = jnp.dot(h, w_ref[...], preferred_element_type=jnp.float32)

    return pl.pallas_call(
        body,
        grid=(N // RB,),
        in_specs=[
            pl.BlockSpec((RB, D), lambda i: (i, 0)),
            pl.BlockSpec((D, D), lambda i: (0, 0)),
            pl.BlockSpec((D,), lambda i: (0,)),
            pl.BlockSpec((D,), lambda i: (0,)),
        ],
        out_specs=pl.BlockSpec((RB, D), lambda i: (i, 0)),
        out_shape=jax.ShapeDtypeStruct((N, D), jnp.float32),
    )(x, W, lnw, lnb)


def _scale_tc(xw, degT):

    def body(xw_ref, d_ref, y_ref):
        dinv = lax.rsqrt(d_ref[:, 0:1] + d_ref[:, 1:2] + 1.0)
        y_ref[...] = xw_ref[...] * dinv

    return pl.pallas_call(
        body,
        grid=(N // RB,),
        in_specs=[
            pl.BlockSpec((RB, D), lambda i: (i, 0)),
            pl.BlockSpec((RB, NC), lambda i: (i, 0)),
        ],
        out_specs=pl.BlockSpec((RB, D), lambda i: (i, 0)),
        out_shape=jax.ShapeDtypeStruct((N, D), jnp.float32),
    )(xw, degT)


def _final_tc(x, acc, y, degT, b, ln2w, ln2b):

    def body(x_ref, a_ref, y_ref, d_ref, b_ref, w_ref, bb_ref, o_ref):
        dinv = lax.rsqrt(d_ref[:, 0:1] + d_ref[:, 1:2] + 1.0)
        g = (a_ref[0] + a_ref[1] + y_ref[...]) * dinv + b_ref[...]
        h2 = x_ref[...] + g
        mu = jnp.mean(h2, axis=-1, keepdims=True)
        var = jnp.mean((h2 - mu) ** 2, axis=-1, keepdims=True)
        o_ref[...] = (h2 - mu) * lax.rsqrt(var + EPS) * w_ref[...] + bb_ref[...]

    return pl.pallas_call(
        body,
        grid=(N // RB,),
        in_specs=[
            pl.BlockSpec((RB, D), lambda i: (i, 0)),
            pl.BlockSpec((NC, RB, D), lambda i: (0, i, 0)),
            pl.BlockSpec((RB, D), lambda i: (i, 0)),
            pl.BlockSpec((RB, NC), lambda i: (i, 0)),
            pl.BlockSpec((D,), lambda i: (0,)),
            pl.BlockSpec((D,), lambda i: (0,)),
            pl.BlockSpec((D,), lambda i: (0,)),
        ],
        out_specs=pl.BlockSpec((RB, D), lambda i: (i, 0)),
        out_shape=jax.ShapeDtypeStruct((N, D), jnp.float32),
    )(x, acc, y, degT, b, ln2w, ln2b)


def kernel(x, edge_index, ln1_w, ln1_b, W, b, ln2_w, ln2_b):
    src = edge_index[0].astype(jnp.int32)
    dst = edge_index[1].astype(jnp.int32)
    src2 = jnp.concatenate(
        [src, jnp.zeros((EPAD,), jnp.int32)]).reshape(EROWS, EW)
    dst2 = jnp.concatenate(
        [dst, jnp.full((EPAD,), NPAD - 1, jnp.int32)]).reshape(EROWS, EW)

    deg2 = _deg_sc(dst2)
    xw = _ln_mm_tc(x, W, ln1_w, ln1_b)
    degT = deg2.T
    y = _scale_tc(xw, degT)
    acc = _msg_sc(y, src2, dst2)
    return _final_tc(x, acc, y, degT, b, ln2_w, ln2_b)

# --- scband reference (transcript-rebuilt; emitter-appended) ---
"""Pipeline reference for scband-enhanced-gcn-32839319945349 (READ-ONLY COPY).

The authoritative reference and input builder live on the scoring server;
editing this copy changes nothing except your own understanding.
"""

import jax, jax.numpy as jnp
import numpy as np

N_NODES = 10000
N_EDGES = 320000
D = 128
EPS = 1e-5

def layernorm(x, w, b):
    mu = jnp.mean(x, axis=-1, keepdims=True)
    var = jnp.mean((x - mu) ** 2, axis=-1, keepdims=True)
    return (x - mu) / jnp.sqrt(var + EPS) * w + b

def gcn_conv(x, edge_index, W, bias):
    # GCNConv: add self-loops, symmetric normalization D^-1/2 (A+I) D^-1/2 X W + b
    N = x.shape[0]
    loop = jnp.arange(N, dtype=edge_index.dtype)
    src = jnp.concatenate([edge_index[0], loop])
    dst = jnp.concatenate([edge_index[1], loop])
    ones = jnp.ones(src.shape[0], dtype=x.dtype)
    deg = jax.ops.segment_sum(ones, dst, num_segments=N)
    dinv = jnp.where(deg > 0, 1.0 / jnp.sqrt(deg), 0.0)
    norm = dinv[src] * dinv[dst]
    xw = x @ W
    msg = xw[src] * norm[:, None]
    out = jax.ops.segment_sum(msg, dst, num_segments=N)
    return out + bias

def setup_inputs(seed: int = 0) -> dict:
    key = jax.random.key(seed)
    k1, k2, k3 = jax.random.split(key, 3)
    x = jax.random.normal(k1, (N_NODES, D), dtype=jnp.float32)
    edge_index = jax.random.randint(k2, (2, N_EDGES), 0, N_NODES).astype(jnp.int64)
    W = jax.random.normal(k3, (D, D), dtype=jnp.float32) * (1.0 / np.sqrt(D))
    b = jnp.zeros((D,), dtype=jnp.float32)
    ln1_w = jnp.ones((D,), dtype=jnp.float32)
    ln1_b = jnp.zeros((D,), dtype=jnp.float32)
    ln2_w = jnp.ones((D,), dtype=jnp.float32)
    ln2_b = jnp.zeros((D,), dtype=jnp.float32)
    return {"x": x, "edge_index": edge_index, "ln1_w": ln1_w, "ln1_b": ln1_b, "W": W, "b": b, "ln2_w": ln2_w, "ln2_b": ln2_b}

def reference(x, edge_index, ln1_w, ln1_b, W, b, ln2_w, ln2_b):
    residual = x
    h = layernorm(x, ln1_w, ln1_b)
    h = gcn_conv(h, edge_index, W, b)
    # dropout is identity in eval mode
    h = residual + h
    h = layernorm(h, ln2_w, ln2_b)
    return h

if __name__ == "__main__":
    import jax
    _d = setup_inputs()
    print(jax.jit(kernel)(*tuple(_d.values())))

</pallas_src>

<mosaic_0001>
#map = affine_map<(d0, d1) -> (0, 0)>
#map1 = affine_map<(d0, d1) -> (0, 0, 0)>
module attributes {stable_mosaic.version = 14 : i64} {
  func.func @k(%arg0: i32, %arg1: i32, %arg2: memref<10000x128xf32, #tpu.memory_space<hbm>>, %arg3: memref<2560x128xi32, #tpu.memory_space<hbm>>, %arg4: memref<2560x128xi32, #tpu.memory_space<hbm>>, %arg5: memref<2x10240x128xf32, #tpu.memory_space<hbm>>, %arg6: memref<2x1x128xi32, #tpu.memory_space<vmem>>, %arg7: memref<2x1x128xi32, #tpu.memory_space<vmem>>, %arg8: memref<2x128x128xf32, #tpu.memory_space<vmem>>, %arg9: memref<10240x128xf32, #tpu.memory_space<vmem_shared>>, %arg10: memref<!tpu.dma_semaphore, #tpu.memory_space<semaphore_mem>>, %arg11: memref<!tpu.dma_semaphore, #tpu.memory_space<semaphore_mem>>, %arg12: memref<!tpu.dma_semaphore, #tpu.memory_space<semaphore_mem>>, %arg13: memref<!tpu.dma_semaphore, #tpu.memory_space<semaphore_mem>>) attributes {dimension_semantics = [#tpu.dimension_semantics<core_parallel>, #tpu.dimension_semantics<subcore_parallel>], iteration_bounds = array<i64: 2, 16>, scalar_prefetch = 0 : i64, scratch_operands = 8 : i64, tpu.core_type = #tpu.core_type<sc_vector_subcore>, window_params = [{transform_indices = #map}, {transform_indices = #map}, {transform_indices = #map}, {transform_indices = #map1}]} {
    %broadcast_in_dim3A = arith.constant 0.000000e+00 : f32
    %broadcast_in_dim3A_0 = vector.broadcast %broadcast_in_dim3A : f32 to vector<16xf32>
    %scan3A = arith.constant 0 : i32
    %scan3A_1 = arith.constant 128 : i32
    %scan3A_2 = arith.addi %scan3A, %scan3A_1 : i32
    %scan3A_3 = arith.constant 1 : i32
    scf.for %scan3A_23 = %scan3A to %scan3A_2 step %scan3A_3  : i32 {
      %mul3A = arith.constant 1 : i32
      %mul3A_24 = arith.muli %scan3A_23, %mul3A : i32
      %add3A = arith.constant 0 : i32
      %add3A_25 = arith.addi %add3A, %mul3A_24 : i32
      %swap3A = arith.constant 0 : i32
      %swap3A_26 = arith.index_cast %swap3A : i32 to index
      %swap3A_27 = arith.index_cast %add3A_25 : i32 to index
      %swap3A_28 = arith.constant 0 : index
      %swap3A_29 = tpu.vector_load %arg8[%swap3A_26, %swap3A_27, %swap3A_28] {strides = array<i32>} : memref<2x128x128xf32, #tpu.memory_space<vmem>>, vector<1x1x16xf32>,
      %swap3A_30 = vector.shape_cast %swap3A_29 : vector<1x1x16xf32> to vector<16xf32>
      %swap3A_31 = vector.shape_cast %broadcast_in_dim3A_0 : vector<16xf32> to vector<1x1x16xf32>
      tpu.vector_store %arg8[%swap3A_26, %swap3A_27, %swap3A_28], %swap3A_31 {strides = array<i32>} : memref<2x128x128xf32, #tpu.memory_space<vmem>>, vector<1x1x16xf32>,
      %swap3A_32 = arith.constant 0 : i32
      %swap3A_33 = arith.index_cast %swap3A_32 : i32 to index
      %swap3A_34 = arith.index_cast %add3A_25 : i32 to index
      %swap3A_35 = arith.constant 16 : index
      %swap3A_36 = tpu.vector_load %arg8[%swap3A_33, %swap3A_34, %swap3A_35] {strides = array<i32>} : memref<2x128x128xf32, #tpu.memory_space<vmem>>, vector<1x1x16xf32>,
      %swap3A_37 = vector.shape_cast %swap3A_36 : vector<1x1x16xf32> to vector<16xf32>
      %swap3A_38 = vector.shape_cast %broadcast_in_dim3A_0 : vector<16xf32> to vector<1x1x16xf32>
      tpu.vector_store %arg8[%swap3A_33, %swap3A_34, %swap3A_35], %swap3A_38 {strides = array<i32>} : memref<2x128x128xf32, #tpu.memory_space<vmem>>, vector<1x1x16xf32>,
      %swap3A_39 = arith.constant 0 : i32
      %swap3A_40 = arith.index_cast %swap3A_39 : i32 to index
      %swap3A_41 = arith.index_cast %add3A_25 : i32 to index
      %swap3A_42 = arith.constant 32 : index
      %swap3A_43 = tpu.vector_load %arg8[%swap3A_40, %swap3A_41, %swap3A_42] {strides = array<i32>} : memref<2x128x128xf32, #tpu.memory_space<vmem>>, vector<1x1x16xf32>,
      %swap3A_44 = vector.shape_cast %swap3A_43 : vector<1x1x16xf32> to vector<16xf32>
      %swap3A_45 = vector.shape_cast %broadcast_in_dim3A_0 : vector<16xf32> to vector<1x1x16xf32>
      tpu.vector_store %arg8[%swap3A_40, %swap3A_41, %swap3A_42], %swap3A_45 {strides = array<i32>} : memref<2x128x128xf32, #tpu.memory_space<vmem>>, vector<1x1x16xf32>,
      %swap3A_46 = arith.constant 0 : i32
      %swap3A_47 = arith.index_cast %swap3A_46 : i32 to index
      %swap3A_48 = arith.index_cast %add3A_25 : i32 to index
      %swap3A_49 = arith.constant 48 : index
      %swap3A_50 = tpu.vector_load %arg8[%swap3A_47, %swap3A_48, %swap3A_49] {strides = array<i32>} : memref<2x128x128xf32, #tpu.memory_space<vmem>>, vector<1x1x16xf32>,
      %swap3A_51 = vector.shape_cast %swap3A_50 : vector<1x1x16xf32> to vector<16xf32>
      %swap3A_52 = vector.shape_cast %broadcast_in_dim3A_0 : vector<16xf32> to vector<1x1x16xf32>
      tpu.vector_store %arg8[%swap3A_47, %swap3A_48, %swap3A_49], %swap3A_52 {strides = array<i32>} : memref<2x128x128xf32, #tpu.memory_space<vmem>>, vector<1x1x16xf32>,
      %swap3A_53 = arith.constant 0 : i32
      %swap3A_54 = arith.index_cast %swap3A_53 : i32 to index
      %swap3A_55 = arith.index_cast %add3A_25 : i32 to index
      %swap3A_56 = arith.constant 64 : index
      %swap3A_57 = tpu.vector_load %arg8[%swap3A_54, %swap3A_55, %swap3A_56] {strides = array<i32>} : memref<2x128x128xf32, #tpu.memory_space<vmem>>, vector<1x1x16xf32>,
      %swap3A_58 = vector.shape_cast %swap3A_57 : vector<1x1x16xf32> to vector<16xf32>
      %swap3A_59 = vector.shape_cast %broadcast_in_dim3A_0 : vector<16xf32> to vector<1x1x16xf32>
      tpu.vector_store %arg8[%swap3A_54, %swap3A_55, %swap3A_56], %swap3A_59 {strides = array<i32>} : memref<2x128x128xf32, #tpu.memory_space<vmem>>, vector<1x1x16xf32>,
      %swap3A_60 = arith.constant 0 : i32
      %swap3A_61 = arith.index_cast %swap3A_60 : i32 to index
      %swap3A_62 = arith.index_cast %add3A_25 : i32 to index
      %swap3A_63 = arith.constant 80 : index
      %swap3A_64 = tpu.vector_load %arg8[%swap3A_61, %swap3A_62, %swap3A_63] {strides = array<i32>} : memref<2x128x128xf32, #tpu.memory_space<vmem>>, vector<1x1x16xf32>,
      %swap3A_65 = vector.shape_cast %swap3A_64 : vector<1x1x16xf32> to vector<16xf32>
      %swap3A_66 = vector.shape_cast %broadcast_in_dim3A_0 : vector<16xf32> to vector<1x1x16xf32>
      tpu.vector_store %arg8[%swap3A_61, %swap3A_62, %swap3A_63], %swap3A_66 {strides = array<i32>} : memref<2x128x128xf32, #tpu.memory_space<vmem>>, vector<1x1x16xf32>,
      %swap3A_67 = arith.constant 0 : i32
      %swap3A_68 = arith.index_cast %swap3A_67 : i32 to index
      %swap3A_69 = arith.index_cast %add3A_25 : i32 to index
      %swap3A_70 = arith.constant 96 : index
      %swap3A_71 = tpu.vector_load %arg8[%swap3A_68, %swap3A_69, %swap3A_70] {strides = array<i32>} : memref<2x128x128xf32, #tpu.memory_space<vmem>>, vector<1x1x16xf32>,
      %swap3A_72 = vector.shape_cast %swap3A_71 : vector<1x1x16xf32> to vector<16xf32>
      %swap3A_73 = vector.shape_cast %broadcast_in_dim3A_0 : vector<16xf32> to vector<1x1x16xf32>
      tpu.vector_store %arg8[%swap3A_68, %swap3A_69, %swap3A_70], %swap3A_73 {strides = array<i32>} : memref<2x128x128xf32, #tpu.memory_space<vmem>>, vector<1x1x16xf32>,
      %swap3A_74 = arith.constant 0 : i32
      %swap3A_75 = arith.index_cast %swap3A_74 : i32 to index
      %swap3A_76 = arith.index_cast %add3A_25 : i32 to index
      %swap3A_77 = arith.constant 112 : index
      %swap3A_78 = tpu.vector_load %arg8[%swap3A_75, %swap3A_76, %swap3A_77] {strides = array<i32>} : memref<2x128x128xf32, #tpu.memory_space<vmem>>, vector<1x1x16xf32>,
      %swap3A_79 = vector.shape_cast %swap3A_78 : vector<1x1x16xf32> to vector<16xf32>
      %swap3A_80 = vector.shape_cast %broadcast_in_dim3A_0 : vector<16xf32> to vector<1x1x16xf32>
      tpu.vector_store %arg8[%swap3A_75, %swap3A_76, %swap3A_77], %swap3A_80 {strides = array<i32>} : memref<2x128x128xf32, #tpu.memory_space<vmem>>, vector<1x1x16xf32>,
    }
    %scan3A_4 = arith.constant 128 : i32
    %scan3A_5 = arith.constant 0 : i32
    %scan3A_6 = arith.constant 5 : i32
    %scan3A_7 = arith.addi %scan3A_5, %scan3A_6 : i32
    %scan3A_8 = arith.constant 1 : i32
    scf.for %scan3A_23 = %scan3A_5 to %scan3A_7 step %scan3A_8  : i32 {
      %mul3A = arith.constant 1 : i32
      %mul3A_24 = arith.muli %scan3A_23, %mul3A : i32
      %add3A = arith.constant 0 : i32
      %add3A_25 = arith.addi %add3A, %mul3A_24 : i32
      %mul3A_26 = arith.constant 640 : i32
      %mul3A_27 = arith.muli %arg1, %mul3A_26 : i32
      %mul3A_28 = arith.constant 128 : i32
      %mul3A_29 = arith.muli %add3A_25, %mul3A_28 : i32
      %add3A_30 = arith.addi %mul3A_27, %mul3A_29 : i32
      %run_scoped3A = arith.constant 0 : i32
      "tpu.region"() ({
        %run_scoped3A_31 = tpu.sem_alloc : memref<!tpu.dma_semaphore, #tpu.memory_space<semaphore_mem>>
        %dma_start3A = arith.constant 0 : i32
        %dma_start3A_32 = arith.constant 0 : i32
        %dma_start3A_33 = tpu.memref_slice %arg8[%run_scoped3A, %dma_start3A, %dma_start3A_32] : memref<2x128x128xf32, #tpu.memory_space<vmem>> -> memref<1x128x128xf32, #tpu.memory_space<vmem>>
        %dma_start3A_34 = tpu.memref_squeeze %dma_start3A_33 : memref<1x128x128xf32, #tpu.memory_space<vmem>> -> memref<128x128xf32, #tpu.memory_space<vmem>>
        %dma_start3A_35 = arith.constant 0 : i32
        %dma_start3A_36 = tpu.memref_slice %arg9[%add3A_30, %dma_start3A_35] : memref<10240x128xf32, #tpu.memory_space<vmem_shared>> -> memref<128x128xf32, #tpu.memory_space<vmem_shared>>
        %dma_start3A_37 = arith.constant 0 : i32
        %dma_start3A_38 = tpu.memref_slice %arg9[%add3A_30, %dma_start3A_37] : memref<10240x128xf32, #tpu.memory_space<vmem_shared>> -> memref<128x128xf32, #tpu.memory_space<vmem_shared>>
        %dma_start3A_39 = arith.constant 0 : i32
        %dma_start3A_40 = arith.constant 0 : i32
        %dma_start3A_41 = tpu.memref_slice %arg8[%run_scoped3A, %dma_start3A_39, %dma_start3A_40] : memref<2x128x128xf32, #tpu.memory_space<vmem>> -> memref<1x128x128xf32, #tpu.memory_space<vmem>>
        %dma_start3A_42 = tpu.memref_squeeze %dma_start3A_41 : memref<1x128x128xf32, #tpu.memory_space<vmem>> -> memref<128x128xf32, #tpu.memory_space<vmem>>
        tpu.enqueue_dma source(%dma_start3A_42 : memref<128x128xf32, #tpu.memory_space<vmem>>) target(%dma_start3A_38 : memref<128x128xf32, #tpu.memory_space<vmem_shared>>) target_semaphore(%run_scoped3A_31 : memref<!tpu.dma_semaphore, #tpu.memory_space<semaphore_mem>>)
        %dma_wait3A = arith.constant 0 : i32
        %dma_wait3A_43 = arith.constant 0 : i32
        %dma_wait3A_44 = tpu.memref_slice %arg8[%run_scoped3A, %dma_wait3A, %dma_wait3A_43] : memref<2x128x128xf32, #tpu.memory_space<vmem>> -> memref<1x128x128xf32, #tpu.memory_space<vmem>>
        %dma_wait3A_45 = tpu.memref_squeeze %dma_wait3A_44 : memref<1x128x128xf32, #tpu.memory_space<vmem>> -> memref<128x128xf32, #tpu.memory_space<vmem>>
        %dma_wait3A_46 = arith.constant 0 : i32
        %dma_wait3A_47 = tpu.memref_slice %arg9[%add3A_30, %dma_wait3A_46] : memref<10240x128xf32, #tpu.memory_space<vmem_shared>> -> memref<128x128xf32, #tpu.memory_space<vmem_shared>>
        %dma_wait3A_48 = arith.constant 0 : i32
        %dma_wait3A_49 = tpu.memref_slice %arg9[%add3A_30, %dma_wait3A_48] : memref<10240x128xf32, #tpu.memory_space<vmem_shared>> -> memref<128x128xf32, #tpu.memory_space<vmem_shared>>
        %dma_wait3A_50 = arith.constant 0 : i32
        %dma_wait3A_51 = arith.constant 0 : i32
        %dma_wait3A_52 = tpu.memref_slice %arg8[%run_scoped3A, %dma_wait3A_50, %dma_wait3A_51] : memref<2x128x128xf32, #tpu.memory_space<vmem>> -> memref<1x128x128xf32, #tpu.memory_space<vmem>>
        %dma_wait3A_53 = tpu.memref_squeeze %dma_wait3A_52 : memref<1x128x128xf32, #tpu.memory_space<vmem>> -> memref<128x128xf32, #tpu.memory_space<vmem>>
        tpu.wait_dma2 semaphore(%run_scoped3A_31 : memref<!tpu.dma_semaphore, #tpu.memory_space<semaphore_mem>>) src(%dma_wait3A_53 : memref<128x128xf32, #tpu.memory_space<vmem>>) dst(%dma_wait3A_49 : memref<128x128xf32, #tpu.memory_space<vmem_shared>>)
        tpu.yield
      }) : () -> ()
    }
    %scan3A_9 = arith.constant 5 : i32
    %barrier3A = arith.constant 0 : index
    tpu.barrier barrier_id(%barrier3A)
    %eq3A = arith.constant 0 : i32
    %eq3A_10 = arith.cmpi eq, %arg0, %eq3A : i32
    %convert_element_type3A = arith.extui %eq3A_10 : i1 to i32
    %cond3A = arith.constant 0 : i32
    %cond3A_11 = arith.cmpi ne, %convert_element_type3A, %cond3A : i32
    scf.if %cond3A_11 {
      %add3A = arith.constant 0 : i32
      %add3A_23 = arith.addi %arg1, %add3A : i32
      %dma_start3A = arith.constant 0 : i32
      %dma_start3A_24 = arith.constant 0 : i32
      %dma_start3A_25 = arith.constant 0 : i32
      %dma_start3A_26 = tpu.memref_slice %arg6[%dma_start3A, %dma_start3A_24, %dma_start3A_25] : memref<2x1x128xi32, #tpu.memory_space<vmem>> -> memref<1x1x128xi32, #tpu.memory_space<vmem>>
      %dma_start3A_27 = tpu.memref_squeeze %dma_start3A_26 : memref<1x1x128xi32, #tpu.memory_space<vmem>> -> memref<1x128xi32, #tpu.memory_space<vmem>>
      %dma_start3A_28 = arith.constant 0 : i32
      %dma_start3A_29 = tpu.memref_slice %arg3[%add3A_23, %dma_start3A_28] : memref<2560x128xi32, #tpu.memory_space<hbm>> -> memref<1x128xi32, #tpu.memory_space<hbm>>
      %dma_start3A_30 = arith.constant 0 : i32
      %dma_start3A_31 = arith.constant 0 : i32
      %dma_start3A_32 = tpu.memref_slice %arg6[%dma_start3A, %dma_start3A_30, %dma_start3A_31] : memref<2x1x128xi32, #tpu.memory_space<vmem>> -> memref<1x1x128xi32, #tpu.memory_space<vmem>>
      %dma_start3A_33 = tpu.memref_squeeze %dma_start3A_32 : memref<1x1x128xi32, #tpu.memory_space<vmem>> -> memref<1x128xi32, #tpu.memory_space<vmem>>
      %dma_start3A_34 = arith.constant 0 : i32
      %dma_start3A_35 = tpu.memref_slice %arg3[%add3A_23, %dma_start3A_34] : memref<2560x128xi32, #tpu.memory_space<hbm>> -> memref<1x128xi32, #tpu.memory_space<hbm>>
      tpu.enqueue_dma source(%dma_start3A_35 : memref<1x128xi32, #tpu.memory_space<hbm>>) target(%dma_start3A_33 : memref<1x128xi32, #tpu.memory_space<vmem>>) target_semaphore(%arg10 : memref<!tpu.dma_semaphore, #tpu.memory_space<semaphore_mem>>)
      %add3A_36 = arith.constant 0 : i32
      %add3A_37 = arith.addi %arg1, %add3A_36 : i32
      %dma_start3A_38 = arith.constant 0 : i32
      %dma_start3A_39 = arith.constant 0 : i32
      %dma_start3A_40 = arith.constant 0 : i32
      %dma_start3A_41 = tpu.memref_slice %arg7[%dma_start3A_38, %dma_start3A_39, %dma_start3A_40] : memref<2x1x128xi32, #tpu.memory_space<vmem>> -> memref<1x1x128xi32, #tpu.memory_space<vmem>>
      %dma_start3A_42 = tpu.memref_squeeze %dma_start3A_41 : memref<1x1x128xi32, #tpu.memory_space<vmem>> -> memref<1x128xi32, #tpu.memory_space<vmem>>
      %dma_start3A_43 = arith.constant 0 : i32
      %dma_start3A_44 = tpu.memref_slice %arg4[%add3A_37, %dma_start3A_43] : memref<2560x128xi32, #tpu.memory_space<hbm>> -> memref<1x128xi32, #tpu.memory_space<hbm>>
      %dma_start3A_45 = arith.constant 0 : i32
      %dma_start3A_46 = arith.constant 0 : i32
      %dma_start3A_47 = tpu.memref_slice %arg7[%dma_start3A_38, %dma_start3A_45, %dma_start3A_46] : memref<2x1x128xi32, #tpu.memory_space<vmem>> -> memref<1x1x128xi32, #tpu.memory_space<vmem>>
      %dma_start3A_48 = tpu.memref_squeeze %dma_start3A_47 : memref<1x1x128xi32, #tpu.memory_space<vmem>> -> memref<1x128xi32, #tpu.memory_space<vmem>>
      %dma_start3A_49 = arith.constant 0 : i32
      %dma_start3A_50 = tpu.memref_slice %arg4[%add3A_37, %dma_start3A_49] : memref<2560x128xi32, #tpu.memory_space<hbm>> -> memref<1x128xi32, #tpu.memory_space<hbm>>
      tpu.enqueue_dma source(%dma_start3A_50 : memref<1x128xi32, #tpu.memory_space<hbm>>) target(%dma_start3A_48 : memref<1x128xi32, #tpu.memory_space<vmem>>) target_semaphore(%arg10 : memref<!tpu.dma_semaphore, #tpu.memory_space<semaphore_mem>>)
      %add3A_51 = arith.constant 16 : i32
      %add3A_52 = arith.addi %arg1, %add3A_51 : i32
      %dma_start3A_53 = arith.constant 1 : i32
      %dma_start3A_54 = arith.constant 0 : i32
      %dma_start3A_55 = arith.constant 0 : i32
      %dma_start3A_56 = tpu.memref_slice %arg6[%dma_start3A_53, %dma_start3A_54, %dma_start3A_55] : memref<2x1x128xi32, #tpu.memory_space<vmem>> -> memref<1x1x128xi32, #tpu.memory_space<vmem>>
      %dma_start3A_57 = tpu.memref_squeeze %dma_start3A_56 : memref<1x1x128xi32, #tpu.memory_space<vmem>> -> memref<1x128xi32, #tpu.memory_space<vmem>>
      %dma_start3A_58 = arith.constant 0 : i32
      %dma_start3A_59 = tpu.memref_slice %arg3[%add3A_52, %dma_start3A_58] : memref<2560x128xi32, #tpu.memory_space<hbm>> -> memref<1x128xi32, #tpu.memory_space<hbm>>
      %dma_start3A_60 = arith.constant 0 : i32
      %dma_start3A_61 = arith.constant 0 : i32
      %dma_start3A_62 = tpu.memref_slice %arg6[%dma_start3A_53, %dma_start3A_60, %dma_start3A_61] : memref<2x1x128xi32, #tpu.memory_space<vmem>> -> memref<1x1x128xi32, #tpu.memory_space<vmem>>
      %dma_start3A_63 = tpu.memref_squeeze %dma_start3A_62 : memref<1x1x128xi32, #tpu.memory_space<vmem>> -> memref<1x128xi32, #tpu.memory_space<vmem>>
      %dma_start3A_64 = arith.constant 0 : i32
      %dma_start3A_65 = tpu.memref_slice %arg3[%add3A_52, %dma_start3A_64] : memref<2560x128xi32, #tpu.memory_space<hbm>> -> memref<1x128xi32, #tpu.memory_space<hbm>>
      tpu.enqueue_dma source(%dma_start3A_65 : memref<1x128xi32, #tpu.memory_space<hbm>>) target(%dma_start3A_63 : memref<1x128xi32, #tpu.memory_space<vmem>>) target_semaphore(%arg11 : memref<!tpu.dma_semaphore, #tpu.memory_space<semaphore_mem>>)
      %add3A_66 = arith.constant 16 : i32
      %add3A_67 = arith.addi %arg1, %add3A_66 : i32
      %dma_start3A_68 = arith.constant 1 : i32
      %dma_start3A_69 = arith.constant 0 : i32
      %dma_start3A_70 = arith.constant 0 : i32
      %dma_start3A_71 = tpu.memref_slice %arg7[%dma_start3A_68, %dma_start3A_69, %dma_start3A_70] : memref<2x1x128xi32, #tpu.memory_space<vmem>> -> memref<1x1x128xi32, #tpu.memory_space<vmem>>
      %dma_start3A_72 = tpu.memref_squeeze %dma_start3A_71 : memref<1x1x128xi32, #tpu.memory_space<vmem>> -> memref<1x128xi32, #tpu.memory_space<vmem>>
      %dma_start3A_73 = arith.constant 0 : i32
      %dma_start3A_74 = tpu.memref_slice %arg4[%add3A_67, %dma_start3A_73] : memref<2560x128xi32, #tpu.memory_space<hbm>> -> memref<1x128xi32, #tpu.memory_space<hbm>>
      %dma_start3A_75 = arith.constant 0 : i32
      %dma_start3A_76 = arith.constant 0 : i32
      %dma_start3A_77 = tpu.memref_slice %arg7[%dma_start3A_68, %dma_start3A_75, %dma_start3A_76] : memref<2x1x128xi32, #tpu.memory_space<vmem>> -> memref<1x1x128xi32, #tpu.memory_space<vmem>>
      %dma_start3A_78 = tpu.memref_squeeze %dma_start3A_77 : memref<1x1x128xi32, #tpu.memory_space<vmem>> -> memref<1x128xi32, #tpu.memory_space<vmem>>
      %dma_start3A_79 = arith.constant 0 : i32
      %dma_start3A_80 = tpu.memref_slice %arg4[%add3A_67, %dma_start3A_79] : memref<2560x128xi32, #tpu.memory_space<hbm>> -> memref<1x128xi32, #tpu.memory_space<hbm>>
      tpu.enqueue_dma source(%dma_start3A_80 : memref<1x128xi32, #tpu.memory_space<hbm>>) target(%dma_start3A_78 : memref<1x128xi32, #tpu.memory_space<vmem>>) target_semaphore(%arg11 : memref<!tpu.dma_semaphore, #tpu.memory_space<semaphore_mem>>)
      %dma_wait3A = arith.constant 0 : i32
      %dma_wait3A_81 = arith.constant 0 : i32
      %dma_wait3A_82 = arith.constant 0 : i32
      %dma_wait3A_83 = tpu.memref_slice %arg6[%dma_wait3A, %dma_wait3A_81, %dma_wait3A_82] : memref<2x1x128xi32, #tpu.memory_space<vmem>> -> memref<1x1x128xi32, #tpu.memory_space<vmem>>
      %dma_wait3A_84 = tpu.memref_squeeze %dma_wait3A_83 : memref<1x1x128xi32, #tpu.memory_space<vmem>> -> memref<1x128xi32, #tpu.memory_space<vmem>>
      %dma_wait3A_85 = arith.constant 0 : i32
      %dma_wait3A_86 = tpu.memref_slice %arg3[%arg1, %dma_wait3A_85] : memref<2560x128xi32, #tpu.memory_space<hbm>> -> memref<1x128xi32, #tpu.memory_space<hbm>>
      %dma_wait3A_87 = arith.constant 0 : i32
      %dma_wait3A_88 = arith.constant 0 : i32
      %dma_wait3A_89 = tpu.memref_slice %arg6[%dma_wait3A, %dma_wait3A_87, %dma_wait3A_88] : memref<2x1x128xi32, #tpu.memory_space<vmem>> -> memref<1x1x128xi32, #tpu.memory_space<vmem>>
      %dma_wait3A_90 = tpu.memref_squeeze %dma_wait3A_89 : memref<1x1x128xi32, #tpu.memory_space<vmem>> -> memref<1x128xi32, #tpu.memory_space<vmem>>
      %dma_wait3A_91 = arith.constant 0 : i32
      %dma_wait3A_92 = tpu.memref_slice %arg3[%arg1, %dma_wait3A_91] : memref<2560x128xi32, #tpu.memory_space<hbm>> -> memref<1x128xi32, #tpu.memory_space<hbm>>
      tpu.wait_dma2 semaphore(%arg10 : memref<!tpu.dma_semaphore, #tpu.memory_space<semaphore_mem>>) src(%dma_wait3A_92 : memref<1x128xi32, #tpu.memory_space<hbm>>) dst(%dma_wait3A_90 : memref<1x128xi32, #tpu.memory_space<vmem>>)
      %dma_wait3A_93 = arith.constant 0 : i32
      %dma_wait3A_94 = arith.constant 0 : i32
      %dma_wait3A_95 = arith.constant 0 : i32
      %dma_wait3A_96 = tpu.memref_slice %arg7[%dma_wait3A_93, %dma_wait3A_94, %dma_wait3A_95] : memref<2x1x128xi32, #tpu.memory_space<vmem>> -> memref<1x1x128xi32, #tpu.memory_space<vmem>>
      %dma_wait3A_97 = tpu.memref_squeeze %dma_wait3A_96 : memref<1x1x128xi32, #tpu.memory_space<vmem>> -> memref<1x128xi32, #tpu.memory_space<vmem>>
      %dma_wait3A_98 = arith.constant 0 : i32
      %dma_wait3A_99 = tpu.memref_slice %arg4[%arg1, %dma_wait3A_98] : memref<2560x128xi32, #tpu.memory_space<hbm>> -> memref<1x128xi32, #tpu.memory_space<hbm>>
      %dma_wait3A_100 = arith.constant 0 : i32
      %dma_wait3A_101 = arith.constant 0 : i32
      %dma_wait3A_102 = tpu.memref_slice %arg7[%dma_wait3A_93, %dma_wait3A_100, %dma_wait3A_101] : memref<2x1x128xi32, #tpu.memory_space<vmem>> -> memref<1x1x128xi32, #tpu.memory_space<vmem>>
      %dma_wait3A_103 = tpu.memref_squeeze %dma_wait3A_102 : memref<1x1x128xi32, #tpu.memory_space<vmem>> -> memref<1x128xi32, #tpu.memory_space<vmem>>
      %dma_wait3A_104 = arith.constant 0 : i32
      %dma_wait3A_105 = tpu.memref_slice %arg4[%arg1, %dma_wait3A_104] : memref<2560x128xi32, #tpu.memory_space<hbm>> -> memref<1x128xi32, #tpu.memory_space<hbm>>
      tpu.wait_dma2 semaphore(%arg10 : memref<!tpu.dma_semaphore, #tpu.memory_space<semaphore_mem>>) src(%dma_wait3A_105 : memref<1x128xi32, #tpu.memory_space<hbm>>) dst(%dma_wait3A_103 : memref<1x128xi32, #tpu.memory_space<vmem>>)
      %dma_start3A_106 = arith.constant 0 : i32
      %dma_start3A_107 = arith.constant 0 : i32
      %dma_start3A_108 = arith.constant 0 : i32
      %dma_start3A_109 = arith.constant 0 : i32
      %dma_start3A_110 = arith.constant 0 : i32
      %dma_start3A_111 = tpu.memref_slice %arg8[%dma_start3A_108, %dma_start3A_109, %dma_start3A_110] : memref<2x128x128xf32, #tpu.memory_space<vmem>> -> memref<1x128x128xf32, #tpu.memory_space<vmem>>
      %dma_start3A_112 = tpu.memref_squeeze %dma_start3A_111 : memref<1x128x128xf32, #tpu.memory_space<vmem>> -> memref<128x128xf32, #tpu.memory_space<vmem>>
      %dma_start3A_113 = arith.constant 0 : i32
      %dma_start3A_114 = tpu.memref_slice %arg6[%dma_start3A_106, %dma_start3A_107, %dma_start3A_113] : memref<2x1x128xi32, #tpu.memory_space<vmem>> -> memref<1x1x128xi32, #tpu.memory_space<vmem>>
      %dma_start3A_115 = tpu.memref_squeeze %dma_start3A_114 : memref<1x1x128xi32, #tpu.memory_space<vmem>> -> memref<128xi32, #tpu.memory_space<vmem>>
      %dma_start3A_116 = arith.constant 0 : i32
      %dma_start3A_117 = arith.constant 0 : i32
      %dma_start3A_118 = tpu.memref_slice %arg2[%dma_start3A_116, %dma_start3A_117] : memref<10000x128xf32, #tpu.memory_space<hbm>> -> memref<10000x128xf32, #tpu.memory_space<hbm>>
      tpu.enqueue_indirect_dma source(%dma_start3A_118 : memref<10000x128xf32, #tpu.memory_space<hbm>>) target(%dma_start3A_112 : memref<128x128xf32, #tpu.memory_space<vmem>>) offsets(%dma_start3A_115 : memref<128xi32, #tpu.memory_space<vmem>>) semaphore(%arg12 : memref<!tpu.dma_semaphore, #tpu.memory_space<semaphore_mem>>)
      %scan3A_119 = arith.constant 0 : i32
      %scan3A_120 = arith.constant 59 : i32
      %scan3A_121 = arith.addi %scan3A_119, %scan3A_120 : i32
      %scan3A_122 = arith.constant 1 : i32
      scf.for %scan3A_124 = %scan3A_119 to %scan3A_121 step %scan3A_122  : i32 {
        %mul3A = arith.constant 1 : i32
        %mul3A_125 = arith.muli %scan3A_124, %mul3A : i32
        %add3A_126 = arith.constant 0 : i32
        %add3A_127 = arith.addi %add3A_126, %mul3A_125 : i32
        %mul3A_128 = arith.constant 2 : i32
        %mul3A_129 = arith.muli %mul3A_128, %add3A_127 : i32
        %add3A_130 = arith.constant 0 : i32
        %add3A_131 = arith.addi %mul3A_129, %add3A_130 : i32
        %mul3A_132 = arith.constant 16 : i32
        %mul3A_133 = arith.muli %add3A_131, %mul3A_132 : i32
        %add3A_134 = arith.addi %arg1, %mul3A_133 : i32
        %dma_wait3A_135 = arith.constant 0 : i32
        %dma_wait3A_136 = arith.constant 0 : i32
        %dma_wait3A_137 = arith.constant 0 : i32
        %dma_wait3A_138 = arith.constant 0 : i32
        %dma_wait3A_139 = arith.constant 0 : i32
        %dma_wait3A_140 = tpu.memref_slice %arg8[%dma_wait3A_137, %dma_wait3A_138, %dma_wait3A_139] : memref<2x128x128xf32, #tpu.memory_space<vmem>> -> memref<1x128x128xf32, #tpu.memory_space<vmem>>
        %dma_wait3A_141 = tpu.memref_squeeze %dma_wait3A_140 : memref<1x128x128xf32, #tpu.memory_space<vmem>> -> memref<128x128xf32, #tpu.memory_space<vmem>>
        %dma_wait3A_142 = arith.constant 0 : i32
        %dma_wait3A_143 = tpu.memref_slice %arg6[%dma_wait3A_135, %dma_wait3A_136, %dma_wait3A_142] : memref<2x1x128xi32, #tpu.memory_space<vmem>> -> memref<1x1x128xi32, #tpu.memory_space<vmem>>
        %dma_wait3A_144 = tpu.memref_squeeze %dma_wait3A_143 : memref<1x1x128xi32, #tpu.memory_space<vmem>> -> memref<128xi32, #tpu.memory_space<vmem>>
        %dma_wait3A_145 = arith.constant 0 : i32
        %dma_wait3A_146 = arith.constant 0 : i32
        %dma_wait3A_147 = tpu.memref_slice %arg2[%dma_wait3A_145, %dma_wait3A_146] : memref<10000x128xf32, #tpu.memory_space<hbm>> -> memref<10000x128xf32, #tpu.memory_space<hbm>>
        tpu.wait_indirect_dma semaphore(%arg12 : memref<!tpu.dma_semaphore, #tpu.memory_space<semaphore_mem>>) src(%dma_wait3A_147 : memref<10000x128xf32, #tpu.memory_space<hbm>>) dst(%dma_wait3A_141 : memref<128x128xf32, #tpu.memory_space<vmem>>)
        %add3A_148 = arith.constant 16 : i32
        %add3A_149 = arith.addi %add3A_134, %add3A_148 : i32
        %dma_wait3A_150 = arith.constant 1 : i32
        %dma_wait3A_151 = arith.constant 0 : i32
        %dma_wait3A_152 = arith.constant 0 : i32
        %dma_wait3A_153 = tpu.memref_slice %arg6[%dma_wait3A_150, %dma_wait3A_151, %dma_wait3A_152] : memref<2x1x128xi32, #tpu.memory_space<vmem>> -> memref<1x1x128xi32, #tpu.memory_space<vmem>>
        %dma_wait3A_154 = tpu.memref_squeeze %dma_wait3A_153 : memref<1x1x128xi32, #tpu.memory_space<vmem>> -> memref<1x128xi32, #tpu.memory_space<vmem>>
        %dma_wait3A_155 = arith.constant 0 : i32
        %dma_wait3A_156 = tpu.memref_slice %arg3[%add3A_149, %dma_wait3A_155] : memref<2560x128xi32, #tpu.memory_space<hbm>> -> memref<1x128xi32, #tpu.memory_space<hbm>>
        %dma_wait3A_157 = arith.constant 0 : i32
        %dma_wait3A_158 = arith.constant 0 : i32
        %dma_wait3A_159 = tpu.memref_slice %arg6[%dma_wait3A_150, %dma_wait3A_157, %dma_wait3A_158] : memref<2x1x128xi32, #tpu.memory_space<vmem>> -> memref<1x1x128xi32, #tpu.memory_space<vmem>>
        %dma_wait3A_160 = tpu.memref_squeeze %dma_wait3A_159 : memref<1x1x128xi32, #tpu.memory_space<vmem>> -> memref<1x128xi32, #tpu.memory_space<vmem>>
        %dma_wait3A_161 = arith.constant 0 : i32
        %dma_wait3A_162 = tpu.memref_slice %arg3[%add3A_149, %dma_wait3A_161] : memref<2560x128xi32, #tpu.memory_space<hbm>> -> memref<1x128xi32, #tpu.memory_space<hbm>>
        tpu.wait_dma2 semaphore(%arg11 : memref<!tpu.dma_semaphore, #tpu.memory_space<semaphore_mem>>) src(%dma_wait3A_162 : memref<1x128xi32, #tpu.memory_space<hbm>>) dst(%dma_wait3A_160 : memref<1x128xi32, #tpu.memory_space<vmem>>)
        %dma_wait3A_163 = arith.constant 1 : i32
        %dma_wait3A_164 = arith.constant 0 : i32
        %dma_wait3A_165 = arith.constant 0 : i32
        %dma_wait3A_166 = tpu.memref_slice %arg7[%dma_wait3A_163, %dma_wait3A_164, %dma_wait3A_165] : memref<2x1x128xi32, #tpu.memory_space<vmem>> -> memref<1x1x128xi32, #tpu.memory_space<vmem>>
        %dma_wait3A_167 = tpu.memref_squeeze %dma_wait3A_166 : memref<1x1x128xi32, #tpu.memory_space<vmem>> -> memref<1x128xi32, #tpu.memory_space<vmem>>
        %dma_wait3A_168 = arith.constant 0 : i32
        %dma_wait3A_169 = tpu.memref_slice %arg4[%add3A_149, %dma_wait3A_168] : memref<2560x128xi32, #tpu.memory_space<hbm>> -> memref<1x128xi32, #tpu.memory_space<hbm>>
        %dma_wait3A_170 = arith.constant 0 : i32
        %dma_wait3A_171 = arith.constant 0 : i32
        %dma_wait3A_172 = tpu.memref_slice %arg7[%dma_wait3A_163, %dma_wait3A_170, %dma_wait3A_171] : memref<2x1x128xi32, #tpu.memory_space<vmem>> -> memref<1x1x128xi32, #tpu.memory_space<vmem>>
        %dma_wait3A_173 = tpu.memref_squeeze %dma_wait3A_172 : memref<1x1x128xi32, #tpu.memory_space<vmem>> -> memref<1x128xi32, #tpu.memory_space<vmem>>
        %dma_wait3A_174 = arith.constant 0 : i32
        %dma_wait3A_175 = tpu.memref_slice %arg4[%add3A_149, %dma_wait3A_174] : memref<2560x128xi32, #tpu.memory_space<hbm>> -> memref<1x128xi32, #tpu.memory_space<hbm>>
        tpu.wait_dma2 semaphore(%arg11 : memref<!tpu.dma_semaphore, #tpu.memory_space<semaphore_mem>>) src(%dma_wait3A_175 : memref<1x128xi32, #tpu.memory_space<hbm>>) dst(%dma_wait3A_173 : memref<1x128xi32, #tpu.memory_space<vmem>>)
        %dma_start3A_176 = arith.constant 1 : i32
        %dma_start3A_177 = arith.constant 0 : i32
        %dma_start3A_178 = arith.constant 1 : i32
        %dma_start3A_179 = arith.constant 0 : i32
        %dma_start3A_180 = arith.constant 0 : i32
        %dma_start3A_181 = tpu.memref_slice %arg8[%dma_start3A_178, %dma_start3A_179, %dma_start3A_180] : memref<2x128x128xf32, #tpu.memory_space<vmem>> -> memref<1x128x128xf32, #tpu.memory_space<vmem>>
        %dma_start3A_182 = tpu.memref_squeeze %dma_start3A_181 : memref<1x128x128xf32, #tpu.memory_space<vmem>> -> memref<128x128xf32, #tpu.memory_space<vmem>>
        %dma_start3A_183 = arith.constant 0 : i32
        %dma_start3A_184 = tpu.memref_slice %arg6[%dma_start3A_176, %dma_start3A_177, %dma_start3A_183] : memref<2x1x128xi32, #tpu.memory_space<vmem>> -> memref<1x1x128xi32, #tpu.memory_space<vmem>>
        %dma_start3A_185 = tpu.memref_squeeze %dma_start3A_184 : memref<1x1x128xi32, #tpu.memory_space<vmem>> -> memref<128xi32, #tpu.memory_space<vmem>>
        %dma_start3A_186 = arith.constant 0 : i32
        %dma_start3A_187 = arith.constant 0 : i32
        %dma_start3A_188 = tpu.memref_slice %arg2[%dma_start3A_186, %dma_start3A_187] : memref<10000x128xf32, #tpu.memory_space<hbm>> -> memref<10000x128xf32, #tpu.memory_space<hbm>>
        tpu.enqueue_indirect_dma source(%dma_start3A_188 : memref<10000x128xf32, #tpu.memory_space<hbm>>) target(%dma_start3A_182 : memref<128x128xf32, #tpu.memory_space<vmem>>) offsets(%dma_start3A_185 : memref<128xi32, #tpu.memory_space<vmem>>) semaphore(%arg13 : memref<!tpu.dma_semaphore, #tpu.memory_space<semaphore_mem>>)
        %run_scoped3A = arith.constant 0 : i32
        %run_scoped3A_189 = arith.constant 0 : i32
        %run_scoped3A_190 = arith.constant 0 : i32
        "tpu.region"() ({
          %run_scoped3A_228 = tpu.sem_alloc : memref<!tpu.dma_semaphore, #tpu.memory_space<semaphore_mem>>
          %dma_start3A_229 = arith.constant 0 : i32
          %dma_start3A_230 = arith.constant 0 : i32
          %dma_start3A_231 = tpu.memref_slice %arg8[%run_scoped3A, %dma_start3A_229, %dma_start3A_230] : memref<2x128x128xf32, #tpu.memory_space<vmem>> -> memref<1x128x128xf32, #tpu.memory_space<vmem>>
          %dma_start3A_232 = tpu.memref_squeeze %dma_start3A_231 : memref<1x128x128xf32, #tpu.memory_space<vmem>> -> memref<128x128xf32, #tpu.memory_space<vmem>>
          %dma_start3A_233 = arith.constant 0 : i32
          %dma_start3A_234 = tpu.memref_slice %arg7[%run_scoped3A_189, %run_scoped3A_190, %dma_start3A_233] : memref<2x1x128xi32, #tpu.memory_space<vmem>> -> memref<1x1x128xi32, #tpu.memory_space<vmem>>
          %dma_start3A_235 = tpu.memref_squeeze %dma_start3A_234 : memref<1x1x128xi32, #tpu.memory_space<vmem>> -> memref<128xi32, #tpu.memory_space<vmem>>
          %dma_start3A_236 = arith.constant 0 : i32
          %dma_start3A_237 = arith.constant 0 : i32
          %dma_start3A_238 = tpu.memref_slice %arg9[%dma_start3A_236, %dma_start3A_237] : memref<10240x128xf32, #tpu.memory_space<vmem_shared>> -> memref<10240x128xf32, #tpu.memory_space<vmem_shared>>
          tpu.enqueue_indirect_dma source(%dma_start3A_232 : memref<128x128xf32, #tpu.memory_space<vmem>>) target(%dma_start3A_238 : memref<10240x128xf32, #tpu.memory_space<vmem_shared>>) offsets(%dma_start3A_235 : memref<128xi32, #tpu.memory_space<vmem>>) semaphore(%run_scoped3A_228 : memref<!tpu.dma_semaphore, #tpu.memory_space<semaphore_mem>>) {add = true}
          %dma_wait3A_239 = arith.constant 0 : i32
          %dma_wait3A_240 = arith.constant 0 : i32
          %dma_wait3A_241 = tpu.memref_slice %arg8[%run_scoped3A, %dma_wait3A_239, %dma_wait3A_240] : memref<2x128x128xf32, #tpu.memory_space<vmem>> -> memref<1x128x128xf32, #tpu.memory_space<vmem>>
          %dma_wait3A_242 = tpu.memref_squeeze %dma_wait3A_241 : memref<1x128x128xf32, #tpu.memory_space<vmem>> -> memref<128x128xf32, #tpu.memory_space<vmem>>
          %dma_wait3A_243 = arith.constant 0 : i32
          %dma_wait3A_244 = tpu.memref_slice %arg7[%run_scoped3A_189, %run_scoped3A_190, %dma_wait3A_243] : memref<2x1x128xi32, #tpu.memory_space<vmem>> -> memref<1x1x128xi32, #tpu.memory_space<vmem>>
          %dma_wait3A_245 = tpu.memref_squeeze %dma_wait3A_244 : memref<1x1x128xi32, #tpu.memory_space<vmem>> -> memref<128xi32, #tpu.memory_space<vmem>>
          %dma_wait3A_246 = arith.constant 0 : i32
          %dma_wait3A_247 = arith.constant 0 : i32
          %dma_wait3A_248 = tpu.memref_slice %arg9[%dma_wait3A_246, %dma_wait3A_247] : memref<10240x128xf32, #tpu.memory_space<vmem_shared>> -> memref<10240x128xf32, #tpu.memory_space<vmem_shared>>
          tpu.wait_indirect_dma semaphore(%run_scoped3A_228 : memref<!tpu.dma_semaphore, #tpu.memory_space<semaphore_mem>>) src(%dma_wait3A_242 : memref<128x128xf32, #tpu.memory_space<vmem>>) dst(%dma_wait3A_248 : memref<10240x128xf32, #tpu.memory_space<vmem_shared>>)
          tpu.yield
        }) : () -> ()
        %lt3A = arith.constant 58 : i32
        %lt3A_191 = arith.cmpi slt, %add3A_127, %lt3A : i32
        %convert_element_type3A_192 = arith.extui %lt3A_191 : i1 to i32
        %cond3A_193 = arith.constant 0 : i32
        %cond3A_194 = arith.cmpi ne, %convert_element_type3A_192, %cond3A_193 : i32
        scf.if %cond3A_194 {
          %add3A_228 = arith.constant 32 : i32
          %add3A_229 = arith.addi %add3A_134, %add3A_228 : i32
          %dma_start3A_230 = arith.constant 0 : i32
          %dma_start3A_231 = arith.constant 0 : i32
          %dma_start3A_232 = arith.constant 0 : i32
          %dma_start3A_233 = tpu.memref_slice %arg6[%dma_start3A_230, %dma_start3A_231, %dma_start3A_232] : memref<2x1x128xi32, #tpu.memory_space<vmem>> -> memref<1x1x128xi32, #tpu.memory_space<vmem>>
          %dma_start3A_234 = tpu.memref_squeeze %dma_start3A_233 : memref<1x1x128xi32, #tpu.memory_space<vmem>> -> memref<1x128xi32, #tpu.memory_space<vmem>>
          %dma_start3A_235 = arith.constant 0 : i32
          %dma_start3A_236 = tpu.memref_slice %arg3[%add3A_229, %dma_start3A_235] : memref<2560x128xi32, #tpu.memory_space<hbm>> -> memref<1x128xi32, #tpu.memory_space<hbm>>
          %dma_start3A_237 = arith.constant 0 : i32
          %dma_start3A_238 = arith.constant 0 : i32
          %dma_start3A_239 = tpu.memref_slice %arg6[%dma_start3A_230, %dma_start3A_237, %dma_start3A_238] : memref<2x1x128xi32, #tpu.memory_space<vmem>> -> memref<1x1x128xi32, #tpu.memory_space<vmem>>
          %dma_start3A_240 = tpu.memref_squeeze %dma_start3A_239 : memref<1x1x128xi32, #tpu.memory_space<vmem>> -> memref<1x128xi32, #tpu.memory_space<vmem>>
          %dma_start3A_241 = arith.constant 0 : i32
          %dma_start3A_242 = tpu.memref_slice %arg3[%add3A_229, %dma_start3A_241] : memref<2560x128xi32, #tpu.memory_space<hbm>> -> memref<1x128xi32, #tpu.memory_space<hbm>>
          tpu.enqueue_dma source(%dma_start3A_242 : memref<1x128xi32, #tpu.memory_space<hbm>>) target(%dma_start3A_240 : memref<1x128xi32, #tpu.memory_space<vmem>>) target_semaphore(%arg10 : memref<!tpu.dma_semaphore, #tpu.memory_space<semaphore_mem>>)
          %dma_start3A_243 = arith.constant 0 : i32
          %dma_start3A_244 = arith.constant 0 : i32
          %dma_start3A_245 = arith.constant 0 : i32
          %dma_start3A_246 = tpu.memref_slice %arg7[%dma_start3A_243, %dma_start3A_244, %dma_start3A_245] : memref<2x1x128xi32, #tpu.memory_space<vmem>> -> memref<1x1x128xi32, #tpu.memory_space<vmem>>
          %dma_start3A_247 = tpu.memref_squeeze %dma_start3A_246 : memref<1x1x128xi32, #tpu.memory_space<vmem>> -> memref<1x128xi32, #tpu.memory_space<vmem>>
          %dma_start3A_248 = arith.constant 0 : i32
          %dma_start3A_249 = tpu.memref_slice %arg4[%add3A_229, %dma_start3A_248] : memref<2560x128xi32, #tpu.memory_space<hbm>> -> memref<1x128xi32, #tpu.memory_space<hbm>>
          %dma_start3A_250 = arith.constant 0 : i32
          %dma_start3A_251 = arith.constant 0 : i32
          %dma_start3A_252 = tpu.memref_slice %arg7[%dma_start3A_243, %dma_start3A_250, %dma_start3A_251] : memref<2x1x128xi32, #tpu.memory_space<vmem>> -> memref<1x1x128xi32, #tpu.memory_space<vmem>>
          %dma_start3A_253 = tpu.memref_squeeze %dma_start3A_252 : memref<1x1x128xi32, #tpu.memory_space<vmem>> -> memref<1x128xi32, #tpu.memory_space<vmem>>
          %dma_start3A_254 = arith.constant 0 : i32
          %dma_start3A_255 = tpu.memref_slice %arg4[%add3A_229, %dma_start3A_254] : memref<2560x128xi32, #tpu.memory_space<hbm>> -> memref<1x128xi32, #tpu.memory_space<hbm>>
          tpu.enqueue_dma source(%dma_start3A_255 : memref<1x128xi32, #tpu.memory_space<hbm>>) target(%dma_start3A_253 : memref<1x128xi32, #tpu.memory_space<vmem>>) target_semaphore(%arg10 : memref<!tpu.dma_semaphore, #tpu.memory_space<semaphore_mem>>)
        } else {
        }
        %mul3A_195 = arith.constant 2 : i32
        %mul3A_196 = arith.muli %mul3A_195, %add3A_127 : i32
        %add3A_197 = arith.constant 1 : i32
        %add3A_198 = arith.addi %mul3A_196, %add3A_197 : i32
        %mul3A_199 = arith.constant 16 : i32
        %mul3A_200 = arith.muli %add3A_198, %mul3A_199 : i32
        %add3A_201 = arith.addi %arg1, %mul3A_200 : i32
        %dma_wait3A_202 = arith.constant 1 : i32
        %dma_wait3A_203 = arith.constant 0 : i32
        %dma_wait3A_204 = arith.constant 1 : i32
        %dma_wait3A_205 = arith.constant 0 : i32
        %dma_wait3A_206 = arith.constant 0 : i32
        %dma_wait3A_207 = tpu.memref_slice %arg8[%dma_wait3A_204, %dma_wait3A_205, %dma_wait3A_206] : memref<2x128x128xf32, #tpu.memory_space<vmem>> -> memref<1x128x128xf32, #tpu.memory_space<vmem>>
        %dma_wait3A_208 = tpu.memref_squeeze %dma_wait3A_207 : memref<1x128x128xf32, #tpu.memory_space<vmem>> -> memref<128x128xf32, #tpu.memory_space<vmem>>
        %dma_wait3A_209 = arith.constant 0 : i32
        %dma_wait3A_210 = tpu.memref_slice %arg6[%dma_wait3A_202, %dma_wait3A_203, %dma_wait3A_209] : memref<2x1x128xi32, #tpu.memory_space<vmem>> -> memref<1x1x128xi32, #tpu.memory_space<vmem>>
        %dma_wait3A_211 = tpu.memref_squeeze %dma_wait3A_210 : memref<1x1x128xi32, #tpu.memory_space<vmem>> -> memref<128xi32, #tpu.memory_space<vmem>>
        %dma_wait3A_212 = arith.constant 0 : i32
        %dma_wait3A_213 = arith.constant 0 : i32
        %dma_wait3A_214 = tpu.memref_slice %arg2[%dma_wait3A_212, %dma_wait3A_213] : memref<10000x128xf32, #tpu.memory_space<hbm>> -> memref<10000x128xf32, #tpu.memory_space<hbm>>
        tpu.wait_indirect_dma semaphore(%arg13 : memref<!tpu.dma_semaphore, #tpu.memory_space<semaphore_mem>>) src(%dma_wait3A_214 : memref<10000x128xf32, #tpu.memory_space<hbm>>) dst(%dma_wait3A_208 : memref<128x128xf32, #tpu.memory_space<vmem>>)
        %lt3A_215 = arith.constant 58 : i32
        %lt3A_216 = arith.cmpi slt, %add3A_127, %lt3A_215 : i32
        %convert_element_type3A_217 = arith.extui %lt3A_216 : i1 to i32
        %cond3A_218 = arith.constant 0 : i32
        %cond3A_219 = arith.cmpi ne, %convert_element_type3A_217, %cond3A_218 : i32
        scf.if %cond3A_219 {
          %add3A_228 = arith.constant 16 : i32
          %add3A_229 = arith.addi %add3A_201, %add3A_228 : i32
          %dma_wait3A_230 = arith.constant 0 : i32
          %dma_wait3A_231 = arith.constant 0 : i32
          %dma_wait3A_232 = arith.constant 0 : i32
          %dma_wait3A_233 = tpu.memref_slice %arg6[%dma_wait3A_230, %dma_wait3A_231, %dma_wait3A_232] : memref<2x1x128xi32, #tpu.memory_space<vmem>> -> memref<1x1x128xi32, #tpu.memory_space<vmem>>
          %dma_wait3A_234 = tpu.memref_squeeze %dma_wait3A_233 : memref<1x1x128xi32, #tpu.memory_space<vmem>> -> memref<1x128xi32, #tpu.memory_space<vmem>>
          %dma_wait3A_235 = arith.constant 0 : i32
          %dma_wait3A_236 = tpu.memref_slice %arg3[%add3A_229, %dma_wait3A_235] : memref<2560x128xi32, #tpu.memory_space<hbm>> -> memref<1x128xi32, #tpu.memory_space<hbm>>
          %dma_wait3A_237 = arith.constant 0 : i32
          %dma_wait3A_238 = arith.constant 0 : i32
          %dma_wait3A_239 = tpu.memref_slice %arg6[%dma_wait3A_230, %dma_wait3A_237, %dma_wait3A_238] : memref<2x1x128xi32, #tpu.memory_space<vmem>> -> memref<1x1x128xi32, #tpu.memory_space<vmem>>
          %dma_wait3A_240 = tpu.memref_squeeze %dma_wait3A_239 : memref<1x1x128xi32, #tpu.memory_space<vmem>> -> memref<1x128xi32, #tpu.memory_space<vmem>>
          %dma_wait3A_241 = arith.constant 0 : i32
          %dma_wait3A_242 = tpu.memref_slice %arg3[%add3A_229, %dma_wait3A_241] : memref<2560x128xi32, #tpu.memory_space<hbm>> -> memref<1x128xi32, #tpu.memory_space<hbm>>
          tpu.wait_dma2 semaphore(%arg10 : memref<!tpu.dma_semaphore, #tpu.memory_space<semaphore_mem>>) src(%dma_wait3A_242 : memref<1x128xi32, #tpu.memory_space<hbm>>) dst(%dma_wait3A_240 : memref<1x128xi32, #tpu.memory_space<vmem>>)
          %dma_wait3A_243 = arith.constant 0 : i32
          %dma_wait3A_244 = arith.constant 0 : i32
          %dma_wait3A_245 = arith.constant 0 : i32
          %dma_wait3A_246 = tpu.memref_slice %arg7[%dma_wait3A_243, %dma_wait3A_244, %dma_wait3A_245] : memref<2x1x128xi32, #tpu.memory_space<vmem>> -> memref<1x1x128xi32, #tpu.memory_space<vmem>>
          %dma_wait3A_247 = tpu.memref_squeeze %dma_wait3A_246 : memref<1x1x128xi32, #tpu.memory_space<vmem>> -> memref<1x128xi32, #tpu.memory_space<vmem>>
          %dma_wait3A_248 = arith.constant 0 : i32
          %dma_wait3A_249 = tpu.memref_slice %arg4[%add3A_229, %dma_wait3A_248] : memref<2560x128xi32, #tpu.memory_space<hbm>> -> memref<1x128xi32, #tpu.memory_space<hbm>>
          %dma_wait3A_250 = arith.constant 0 : i32
          %dma_wait3A_251 = arith.constant 0 : i32
          %dma_wait3A_252 = tpu.memref_slice %arg7[%dma_wait3A_243, %dma_wait3A_250, %dma_wait3A_251] : memref<2x1x128xi32, #tpu.memory_space<vmem>> -> memref<1x1x128xi32, #tpu.memory_space<vmem>>
          %dma_wait3A_253 = tpu.memref_squeeze %dma_wait3A_252 : memref<1x1x128xi32, #tpu.memory_space<vmem>> -> memref<1x128xi32, #tpu.memory_space<vmem>>
          %dma_wait3A_254 = arith.constant 0 : i32
          %dma_wait3A_255 = tpu.memref_slice %arg4[%add3A_229, %dma_wait3A_254] : memref<2560x128xi32, #tpu.memory_space<hbm>> -> memref<1x128xi32, #tpu.memory_space<hbm>>
          tpu.wait_dma2 semaphore(%arg10 : memref<!tpu.dma_semaphore, #tpu.memory_space<semaphore_mem>>) src(%dma_wait3A_255 : memref<1x128xi32, #tpu.memory_space<hbm>>) dst(%dma_wait3A_253 : memref<1x128xi32, #tpu.memory_space<vmem>>)
          %dma_start3A_256 = arith.constant 0 : i32
          %dma_start3A_257 = arith.constant 0 : i32
          %dma_start3A_258 = arith.constant 0 : i32
          %dma_start3A_259 = arith.constant 0 : i32
          %dma_start3A_260 = arith.constant 0 : i32
          %dma_start3A_261 = tpu.memref_slice %arg8[%dma_start3A_258, %dma_start3A_259, %dma_start3A_260] : memref<2x128x128xf32, #tpu.memory_space<vmem>> -> memref<1x128x128xf32, #tpu.memory_space<vmem>>
          %dma_start3A_262 = tpu.memref_squeeze %dma_start3A_261 : memref<1x128x128xf32, #tpu.memory_space<vmem>> -> memref<128x128xf32, #tpu.memory_space<vmem>>
          %dma_start3A_263 = arith.constant 0 : i32
          %dma_start3A_264 = tpu.memref_slice %arg6[%dma_start3A_256, %dma_start3A_257, %dma_start3A_263] : memref<2x1x128xi32, #tpu.memory_space<vmem>> -> memref<1x1x128xi32, #tpu.memory_space<vmem>>
          %dma_start3A_265 = tpu.memref_squeeze %dma_start3A_264 : memref<1x1x128xi32, #tpu.memory_space<vmem>> -> memref<128xi32, #tpu.memory_space<vmem>>
          %dma_start3A_266 = arith.constant 0 : i32
          %dma_start3A_267 = arith.constant 0 : i32
          %dma_start3A_268 = tpu.memref_slice %arg2[%dma_start3A_266, %dma_start3A_267] : memref<10000x128xf32, #tpu.memory_space<hbm>> -> memref<10000x128xf32, #tpu.memory_space<hbm>>
          tpu.enqueue_indirect_dma source(%dma_start3A_268 : memref<10000x128xf32, #tpu.memory_space<hbm>>) target(%dma_start3A_262 : memref<128x128xf32, #tpu.memory_space<vmem>>) offsets(%dma_start3A_265 : memref<128xi32, #tpu.memory_space<vmem>>) semaphore(%arg12 : memref<!tpu.dma_semaphore, #tpu.memory_space<semaphore_mem>>)
        } else {
        }
        %run_scoped3A_220 = arith.constant 1 : i32
        %run_scoped3A_221 = arith.constant 1 : i32
        %run_scoped3A_222 = arith.constant 0 : i32
        "tpu.region"() ({
          %run_scoped3A_228 = tpu.sem_alloc : memref<!tpu.dma_semaphore, #tpu.memory_space<semaphore_mem>>
          %dma_start3A_229 = arith.constant 0 : i32
          %dma_start3A_230 = arith.constant 0 : i32
          %dma_start3A_231 = tpu.memref_slice %arg8[%run_scoped3A_220, %dma_start3A_229, %dma_start3A_230] : memref<2x128x128xf32, #tpu.memory_space<vmem>> -> memref<1x128x128xf32, #tpu.memory_space<vmem>>
          %dma_start3A_232 = tpu.memref_squeeze %dma_start3A_231 : memref<1x128x128xf32, #tpu.memory_space<vmem>> -> memref<128x128xf32, #tpu.memory_space<vmem>>
          %dma_start3A_233 = arith.constant 0 : i32
          %dma_start3A_234 = tpu.memref_slice %arg7[%run_scoped3A_221, %run_scoped3A_222, %dma_start3A_233] : memref<2x1x128xi32, #tpu.memory_space<vmem>> -> memref<1x1x128xi32, #tpu.memory_space<vmem>>
          %dma_start3A_235 = tpu.memref_squeeze %dma_start3A_234 : memref<1x1x128xi32, #tpu.memory_space<vmem>> -> memref<128xi32, #tpu.memory_space<vmem>>
          %dma_start3A_236 = arith.constant 0 : i32
          %dma_start3A_237 = arith.constant 0 : i32
          %dma_start3A_238 = tpu.memref_slice %arg9[%dma_start3A_236, %dma_start3A_237] : memref<10240x128xf32, #tpu.memory_space<vmem_shared>> -> memref<10240x128xf32, #tpu.memory_space<vmem_shared>>
          tpu.enqueue_indirect_dma source(%dma_start3A_232 : memref<128x128xf32, #tpu.memory_space<vmem>>) target(%dma_start3A_238 : memref<10240x128xf32, #tpu.memory_space<vmem_shared>>) offsets(%dma_start3A_235 : memref<128xi32, #tpu.memory_space<vmem>>) semaphore(%run_scoped3A_228 : memref<!tpu.dma_semaphore, #tpu.memory_space<semaphore_mem>>) {add = true}
          %dma_wait3A_239 = arith.constant 0 : i32
          %dma_wait3A_240 = arith.constant 0 : i32
          %dma_wait3A_241 = tpu.memref_slice %arg8[%run_scoped3A_220, %dma_wait3A_239, %dma_wait3A_240] : memref<2x128x128xf32, #tpu.memory_space<vmem>> -> memref<1x128x128xf32, #tpu.memory_space<vmem>>
          %dma_wait3A_242 = tpu.memref_squeeze %dma_wait3A_241 : memref<1x128x128xf32, #tpu.memory_space<vmem>> -> memref<128x128xf32, #tpu.memory_space<vmem>>
          %dma_wait3A_243 = arith.constant 0 : i32
          %dma_wait3A_244 = tpu.memref_slice %arg7[%run_scoped3A_221, %run_scoped3A_222, %dma_wait3A_243] : memref<2x1x128xi32, #tpu.memory_space<vmem>> -> memref<1x1x128xi32, #tpu.memory_space<vmem>>
          %dma_wait3A_245 = tpu.memref_squeeze %dma_wait3A_244 : memref<1x1x128xi32, #tpu.memory_space<vmem>> -> memref<128xi32, #tpu.memory_space<vmem>>
          %dma_wait3A_246 = arith.constant 0 : i32
          %dma_wait3A_247 = arith.constant 0 : i32
          %dma_wait3A_248 = tpu.memref_slice %arg9[%dma_wait3A_246, %dma_wait3A_247] : memref<10240x128xf32, #tpu.memory_space<vmem_shared>> -> memref<10240x128xf32, #tpu.memory_space<vmem_shared>>
          tpu.wait_indirect_dma semaphore(%run_scoped3A_228 : memref<!tpu.dma_semaphore, #tpu.memory_space<semaphore_mem>>) src(%dma_wait3A_242 : memref<128x128xf32, #tpu.memory_space<vmem>>) dst(%dma_wait3A_248 : memref<10240x128xf32, #tpu.memory_space<vmem_shared>>)
          tpu.yield
        }) : () -> ()
        %lt3A_223 = arith.constant 58 : i32
        %lt3A_224 = arith.cmpi slt, %add3A_127, %lt3A_223 : i32
        %convert_element_type3A_225 = arith.extui %lt3A_224 : i1 to i32
        %cond3A_226 = arith.constant 0 : i32
        %cond3A_227 = arith.cmpi ne, %convert_element_type3A_225, %cond3A_226 : i32
        scf.if %cond3A_227 {
          %add3A_228 = arith.constant 32 : i32
          %add3A_229 = arith.addi %add3A_201, %add3A_228 : i32
          %dma_start3A_230 = arith.constant 1 : i32
          %dma_start3A_231 = arith.constant 0 : i32
          %dma_start3A_232 = arith.constant 0 : i32
          %dma_start3A_233 = tpu.memref_slice %arg6[%dma_start3A_230, %dma_start3A_231, %dma_start3A_232] : memref<2x1x128xi32, #tpu.memory_space<vmem>> -> memref<1x1x128xi32, #tpu.memory_space<vmem>>
          %dma_start3A_234 = tpu.memref_squeeze %dma_start3A_233 : memref<1x1x128xi32, #tpu.memory_space<vmem>> -> memref<1x128xi32, #tpu.memory_space<vmem>>
          %dma_start3A_235 = arith.constant 0 : i32
          %dma_start3A_236 = tpu.memref_slice %arg3[%add3A_229, %dma_start3A_235] : memref<2560x128xi32, #tpu.memory_space<hbm>> -> memref<1x128xi32, #tpu.memory_space<hbm>>
          %dma_start3A_237 = arith.constant 0 : i32
          %dma_start3A_238 = arith.constant 0 : i32
          %dma_start3A_239 = tpu.memref_slice %arg6[%dma_start3A_230, %dma_start3A_237, %dma_start3A_238] : memref<2x1x128xi32, #tpu.memory_space<vmem>> -> memref<1x1x128xi32, #tpu.memory_space<vmem>>
          %dma_start3A_240 = tpu.memref_squeeze %dma_start3A_239 : memref<1x1x128xi32, #tpu.memory_space<vmem>> -> memref<1x128xi32, #tpu.memory_space<vmem>>
          %dma_start3A_241 = arith.constant 0 : i32
          %dma_start3A_242 = tpu.memref_slice %arg3[%add3A_229, %dma_start3A_241] : memref<2560x128xi32, #tpu.memory_space<hbm>> -> memref<1x128xi32, #tpu.memory_space<hbm>>
          tpu.enqueue_dma source(%dma_start3A_242 : memref<1x128xi32, #tpu.memory_space<hbm>>) target(%dma_start3A_240 : memref<1x128xi32, #tpu.memory_space<vmem>>) target_semaphore(%arg11 : memref<!tpu.dma_semaphore, #tpu.memory_space<semaphore_mem>>)
          %dma_start3A_243 = arith.constant 1 : i32
          %dma_start3A_244 = arith.constant 0 : i32
          %dma_start3A_245 = arith.constant 0 : i32
          %dma_start3A_246 = tpu.memref_slice %arg7[%dma_start3A_243, %dma_start3A_244, %dma_start3A_245] : memref<2x1x128xi32, #tpu.memory_space<vmem>> -> memref<1x1x128xi32, #tpu.memory_space<vmem>>
          %dma_start3A_247 = tpu.memref_squeeze %dma_start3A_246 : memref<1x1x128xi32, #tpu.memory_space<vmem>> -> memref<1x128xi32, #tpu.memory_space<vmem>>
          %dma_start3A_248 = arith.constant 0 : i32
          %dma_start3A_249 = tpu.memref_slice %arg4[%add3A_229, %dma_start3A_248] : memref<2560x128xi32, #tpu.memory_space<hbm>> -> memref<1x128xi32, #tpu.memory_space<hbm>>
          %dma_start3A_250 = arith.constant 0 : i32
          %dma_start3A_251 = arith.constant 0 : i32
          %dma_start3A_252 = tpu.memref_slice %arg7[%dma_start3A_243, %dma_start3A_250, %dma_start3A_251] : memref<2x1x128xi32, #tpu.memory_space<vmem>> -> memref<1x1x128xi32, #tpu.memory_space<vmem>>
          %dma_start3A_253 = tpu.memref_squeeze %dma_start3A_252 : memref<1x1x128xi32, #tpu.memory_space<vmem>> -> memref<1x128xi32, #tpu.memory_space<vmem>>
          %dma_start3A_254 = arith.constant 0 : i32
          %dma_start3A_255 = tpu.memref_slice %arg4[%add3A_229, %dma_start3A_254] : memref<2560x128xi32, #tpu.memory_space<hbm>> -> memref<1x128xi32, #tpu.memory_space<hbm>>
          tpu.enqueue_dma source(%dma_start3A_255 : memref<1x128xi32, #tpu.memory_space<hbm>>) target(%dma_start3A_253 : memref<1x128xi32, #tpu.memory_space<vmem>>) target_semaphore(%arg11 : memref<!tpu.dma_semaphore, #tpu.memory_space<semaphore_mem>>)
        } else {
        }
      }
      %scan3A_123 = arith.constant 59 : i32
    } else {
    }
    %eq3A_12 = arith.constant 1 : i32
    %eq3A_13 = arith.cmpi eq, %arg0, %eq3A_12 : i32
    %convert_element_type3A_14 = arith.extui %eq3A_13 : i1 to i32
    %cond3A_15 = arith.constant 0 : i32
    %cond3A_16 = arith.cmpi ne, %convert_element_type3A_14, %cond3A_15 : i32
    scf.if %cond3A_16 {
      %add3A = arith.constant 1888 : i32
      %add3A_23 = arith.addi %add3A, %arg1 : i32
      %add3A_24 = arith.constant 0 : i32
      %add3A_25 = arith.addi %add3A_23, %add3A_24 : i32
      %dma_start3A = arith.constant 0 : i32
      %dma_start3A_26 = arith.constant 0 : i32
      %dma_start3A_27 = arith.constant 0 : i32
      %dma_start3A_28 = tpu.memref_slice %arg6[%dma_start3A, %dma_start3A_26, %dma_start3A_27] : memref<2x1x128xi32, #tpu.memory_space<vmem>> -> memref<1x1x128xi32, #tpu.memory_space<vmem>>
      %dma_start3A_29 = tpu.memref_squeeze %dma_start3A_28 : memref<1x1x128xi32, #tpu.memory_space<vmem>> -> memref<1x128xi32, #tpu.memory_space<vmem>>
      %dma_start3A_30 = arith.constant 0 : i32
      %dma_start3A_31 = tpu.memref_slice %arg3[%add3A_25, %dma_start3A_30] : memref<2560x128xi32, #tpu.memory_space<hbm>> -> memref<1x128xi32, #tpu.memory_space<hbm>>
      %dma_start3A_32 = arith.constant 0 : i32
      %dma_start3A_33 = arith.constant 0 : i32
      %dma_start3A_34 = tpu.memref_slice %arg6[%dma_start3A, %dma_start3A_32, %dma_start3A_33] : memref<2x1x128xi32, #tpu.memory_space<vmem>> -> memref<1x1x128xi32, #tpu.memory_space<vmem>>
      %dma_start3A_35 = tpu.memref_squeeze %dma_start3A_34 : memref<1x1x128xi32, #tpu.memory_space<vmem>> -> memref<1x128xi32, #tpu.memory_space<vmem>>
      %dma_start3A_36 = arith.constant 0 : i32
      %dma_start3A_37 = tpu.memref_slice %arg3[%add3A_25, %dma_start3A_36] : memref<2560x128xi32, #tpu.memory_space<hbm>> -> memref<1x128xi32, #tpu.memory_space<hbm>>
      tpu.enqueue_dma source(%dma_start3A_37 : memref<1x128xi32, #tpu.memory_space<hbm>>) target(%dma_start3A_35 : memref<1x128xi32, #tpu.memory_space<vmem>>) target_semaphore(%arg10 : memref<!tpu.dma_semaphore, #tpu.memory_space<semaphore_mem>>)
      %add3A_38 = arith.constant 0 : i32
      %add3A_39 = arith.addi %add3A_23, %add3A_38 : i32
      %dma_start3A_40 = arith.constant 0 : i32
      %dma_start3A_41 = arith.constant 0 : i32
      %dma_start3A_42 = arith.constant 0 : i32
      %dma_start3A_43 = tpu.memref_slice %arg7[%dma_start3A_40, %dma_start3A_41, %dma_start3A_42] : memref<2x1x128xi32, #tpu.memory_space<vmem>> -> memref<1x1x128xi32, #tpu.memory_space<vmem>>
      %dma_start3A_44 = tpu.memref_squeeze %dma_start3A_43 : memref<1x1x128xi32, #tpu.memory_space<vmem>> -> memref<1x128xi32, #tpu.memory_space<vmem>>
      %dma_start3A_45 = arith.constant 0 : i32
      %dma_start3A_46 = tpu.memref_slice %arg4[%add3A_39, %dma_start3A_45] : memref<2560x128xi32, #tpu.memory_space<hbm>> -> memref<1x128xi32, #tpu.memory_space<hbm>>
      %dma_start3A_47 = arith.constant 0 : i32
      %dma_start3A_48 = arith.constant 0 : i32
      %dma_start3A_49 = tpu.memref_slice %arg7[%dma_start3A_40, %dma_start3A_47, %dma_start3A_48] : memref<2x1x128xi32, #tpu.memory_space<vmem>> -> memref<1x1x128xi32, #tpu.memory_space<vmem>>
      %dma_start3A_50 = tpu.memref_squeeze %dma_start3A_49 : memref<1x1x128xi32, #tpu.memory_space<vmem>> -> memref<1x128xi32, #tpu.memory_space<vmem>>
      %dma_start3A_51 = arith.constant 0 : i32
      %dma_start3A_52 = tpu.memref_slice %arg4[%add3A_39, %dma_start3A_51] : memref<2560x128xi32, #tpu.memory_space<hbm>> -> memref<1x128xi32, #tpu.memory_space<hbm>>
      tpu.enqueue_dma source(%dma_start3A_52 : memref<1x128xi32, #tpu.memory_space<hbm>>) target(%dma_start3A_50 : memref<1x128xi32, #tpu.memory_space<vmem>>) target_semaphore(%arg10 : memref<!tpu.dma_semaphore, #tpu.memory_space<semaphore_mem>>)
      %add3A_53 = arith.constant 16 : i32
      %add3A_54 = arith.addi %add3A_23, %add3A_53 : i32
      %dma_start3A_55 = arith.constant 1 : i32
      %dma_start3A_56 = arith.constant 0 : i32
      %dma_start3A_57 = arith.constant 0 : i32
      %dma_start3A_58 = tpu.memref_slice %arg6[%dma_start3A_55, %dma_start3A_56, %dma_start3A_57] : memref<2x1x128xi32, #tpu.memory_space<vmem>> -> memref<1x1x128xi32, #tpu.memory_space<vmem>>
      %dma_start3A_59 = tpu.memref_squeeze %dma_start3A_58 : memref<1x1x128xi32, #tpu.memory_space<vmem>> -> memref<1x128xi32, #tpu.memory_space<vmem>>
      %dma_start3A_60 = arith.constant 0 : i32
      %dma_start3A_61 = tpu.memref_slice %arg3[%add3A_54, %dma_start3A_60] : memref<2560x128xi32, #tpu.memory_space<hbm>> -> memref<1x128xi32, #tpu.memory_space<hbm>>
      %dma_start3A_62 = arith.constant 0 : i32
      %dma_start3A_63 = arith.constant 0 : i32
      %dma_start3A_64 = tpu.memref_slice %arg6[%dma_start3A_55, %dma_start3A_62, %dma_start3A_63] : memref<2x1x128xi32, #tpu.memory_space<vmem>> -> memref<1x1x128xi32, #tpu.memory_space<vmem>>
      %dma_start3A_65 = tpu.memref_squeeze %dma_start3A_64 : memref<1x1x128xi32, #tpu.memory_space<vmem>> -> memref<1x128xi32, #tpu.memory_space<vmem>>
      %dma_start3A_66 = arith.constant 0 : i32
      %dma_start3A_67 = tpu.memref_slice %arg3[%add3A_54, %dma_start3A_66] : memref<2560x128xi32, #tpu.memory_space<hbm>> -> memref<1x128xi32, #tpu.memory_space<hbm>>
      tpu.enqueue_dma source(%dma_start3A_67 : memref<1x128xi32, #tpu.memory_space<hbm>>) target(%dma_start3A_65 : memref<1x128xi32, #tpu.memory_space<vmem>>) target_semaphore(%arg11 : memref<!tpu.dma_semaphore, #tpu.memory_space<semaphore_mem>>)
      %add3A_68 = arith.constant 16 : i32
      %add3A_69 = arith.addi %add3A_23, %add3A_68 : i32
      %dma_start3A_70 = arith.constant 1 : i32
      %dma_start3A_71 = arith.constant 0 : i32
      %dma_start3A_72 = arith.constant 0 : i32
      %dma_start3A_73 = tpu.memref_slice %arg7[%dma_start3A_70, %dma_start3A_71, %dma_start3A_72] : memref<2x1x128xi32, #tpu.memory_space<vmem>> -> memref<1x1x128xi32, #tpu.memory_space<vmem>>
      %dma_start3A_74 = tpu.memref_squeeze %dma_start3A_73 : memref<1x1x128xi32, #tpu.memory_space<vmem>> -> memref<1x128xi32, #tpu.memory_space<vmem>>
      %dma_start3A_75 = arith.constant 0 : i32
      %dma_start3A_76 = tpu.memref_slice %arg4[%add3A_69, %dma_start3A_75] : memref<2560x128xi32, #tpu.memory_space<hbm>> -> memref<1x128xi32, #tpu.memory_space<hbm>>
      %dma_start3A_77 = arith.constant 0 : i32
      %dma_start3A_78 = arith.constant 0 : i32
      %dma_start3A_79 = tpu.memref_slice %arg7[%dma_start3A_70, %dma_start3A_77, %dma_start3A_78] : memref<2x1x128xi32, #tpu.memory_space<vmem>> -> memref<1x1x128xi32, #tpu.memory_space<vmem>>
      %dma_start3A_80 = tpu.memref_squeeze %dma_start3A_79 : memref<1x1x128xi32, #tpu.memory_space<vmem>> -> memref<1x128xi32, #tpu.memory_space<vmem>>
      %dma_start3A_81 = arith.constant 0 : i32
      %dma_start3A_82 = tpu.memref_slice %arg4[%add3A_69, %dma_start3A_81] : memref<2560x128xi32, #tpu.memory_space<hbm>> -> memref<1x128xi32, #tpu.memory_space<hbm>>
      tpu.enqueue_dma source(%dma_start3A_82 : memref<1x128xi32, #tpu.memory_space<hbm>>) target(%dma_start3A_80 : memref<1x128xi32, #tpu.memory_space<vmem>>) target_semaphore(%arg11 : memref<!tpu.dma_semaphore, #tpu.memory_space<semaphore_mem>>)
      %dma_wait3A = arith.constant 0 : i32
      %dma_wait3A_83 = arith.constant 0 : i32
      %dma_wait3A_84 = arith.constant 0 : i32
      %dma_wait3A_85 = tpu.memref_slice %arg6[%dma_wait3A, %dma_wait3A_83, %dma_wait3A_84] : memref<2x1x128xi32, #tpu.memory_space<vmem>> -> memref<1x1x128xi32, #tpu.memory_space<vmem>>
      %dma_wait3A_86 = tpu.memref_squeeze %dma_wait3A_85 : memref<1x1x128xi32, #tpu.memory_space<vmem>> -> memref<1x128xi32, #tpu.memory_space<vmem>>
      %dma_wait3A_87 = arith.constant 0 : i32
      %dma_wait3A_88 = tpu.memref_slice %arg3[%add3A_23, %dma_wait3A_87] : memref<2560x128xi32, #tpu.memory_space<hbm>> -> memref<1x128xi32, #tpu.memory_space<hbm>>
      %dma_wait3A_89 = arith.constant 0 : i32
      %dma_wait3A_90 = arith.constant 0 : i32
      %dma_wait3A_91 = tpu.memref_slice %arg6[%dma_wait3A, %dma_wait3A_89, %dma_wait3A_90] : memref<2x1x128xi32, #tpu.memory_space<vmem>> -> memref<1x1x128xi32, #tpu.memory_space<vmem>>
      %dma_wait3A_92 = tpu.memref_squeeze %dma_wait3A_91 : memref<1x1x128xi32, #tpu.memory_space<vmem>> -> memref<1x128xi32, #tpu.memory_space<vmem>>
      %dma_wait3A_93 = arith.constant 0 : i32
      %dma_wait3A_94 = tpu.memref_slice %arg3[%add3A_23, %dma_wait3A_93] : memref<2560x128xi32, #tpu.memory_space<hbm>> -> memref<1x128xi32, #tpu.memory_space<hbm>>
      tpu.wait_dma2 semaphore(%arg10 : memref<!tpu.dma_semaphore, #tpu.memory_space<semaphore_mem>>) src(%dma_wait3A_94 : memref<1x128xi32, #tpu.memory_space<hbm>>) dst(%dma_wait3A_92 : memref<1x128xi32, #tpu.memory_space<vmem>>)
      %dma_wait3A_95 = arith.constant 0 : i32
      %dma_wait3A_96 = arith.constant 0 : i32
      %dma_wait3A_97 = arith.constant 0 : i32
      %dma_wait3A_98 = tpu.memref_slice %arg7[%dma_wait3A_95, %dma_wait3A_96, %dma_wait3A_97] : memref<2x1x128xi32, #tpu.memory_space<vmem>> -> memref<1x1x128xi32, #tpu.memory_space<vmem>>
      %dma_wait3A_99 = tpu.memref_squeeze %dma_wait3A_98 : memref<1x1x128xi32, #tpu.memory_space<vmem>> -> memref<1x128xi32, #tpu.memory_space<vmem>>
      %dma_wait3A_100 = arith.constant 0 : i32
      %dma_wait3A_101 = tpu.memref_slice %arg4[%add3A_23, %dma_wait3A_100] : memref<2560x128xi32, #tpu.memory_space<hbm>> -> memref<1x128xi32, #tpu.memory_space<hbm>>
      %dma_wait3A_102 = arith.constant 0 : i32
      %dma_wait3A_103 = arith.constant 0 : i32
      %dma_wait3A_104 = tpu.memref_slice %arg7[%dma_wait3A_95, %dma_wait3A_102, %dma_wait3A_103] : memref<2x1x128xi32, #tpu.memory_space<vmem>> -> memref<1x1x128xi32, #tpu.memory_space<vmem>>
      %dma_wait3A_105 = tpu.memref_squeeze %dma_wait3A_104 : memref<1x1x128xi32, #tpu.memory_space<vmem>> -> memref<1x128xi32, #tpu.memory_space<vmem>>
      %dma_wait3A_106 = arith.constant 0 : i32
      %dma_wait3A_107 = tpu.memref_slice %arg4[%add3A_23, %dma_wait3A_106] : memref<2560x128xi32, #tpu.memory_space<hbm>> -> memref<1x128xi32, #tpu.memory_space<hbm>>
      tpu.wait_dma2 semaphore(%arg10 : memref<!tpu.dma_semaphore, #tpu.memory_space<semaphore_mem>>) src(%dma_wait3A_107 : memref<1x128xi32, #tpu.memory_space<hbm>>) dst(%dma_wait3A_105 : memref<1x128xi32, #tpu.memory_space<vmem>>)
      %dma_start3A_108 = arith.constant 0 : i32
      %dma_start3A_109 = arith.constant 0 : i32
      %dma_start3A_110 = arith.constant 0 : i32
      %dma_start3A_111 = arith.constant 0 : i32
      %dma_start3A_112 = arith.constant 0 : i32
      %dma_start3A_113 = tpu.memref_slice %arg8[%dma_start3A_110, %dma_start3A_111, %dma_start3A_112] : memref<2x128x128xf32, #tpu.memory_space<vmem>> -> memref<1x128x128xf32, #tpu.memory_space<vmem>>
      %dma_start3A_114 = tpu.memref_squeeze %dma_start3A_113 : memref<1x128x128xf32, #tpu.memory_space<vmem>> -> memref<128x128xf32, #tpu.memory_space<vmem>>
      %dma_start3A_115 = arith.constant 0 : i32
      %dma_start3A_116 = tpu.memref_slice %arg6[%dma_start3A_108, %dma_start3A_109, %dma_start3A_115] : memref<2x1x128xi32, #tpu.memory_space<vmem>> -> memref<1x1x128xi32, #tpu.memory_space<vmem>>
      %dma_start3A_117 = tpu.memref_squeeze %dma_start3A_116 : memref<1x1x128xi32, #tpu.memory_space<vmem>> -> memref<128xi32, #tpu.memory_space<vmem>>
      %dma_start3A_118 = arith.constant 0 : i32
      %dma_start3A_119 = arith.constant 0 : i32
      %dma_start3A_120 = tpu.memref_slice %arg2[%dma_start3A_118, %dma_start3A_119] : memref<10000x128xf32, #tpu.memory_space<hbm>> -> memref<10000x128xf32, #tpu.memory_space<hbm>>
      tpu.enqueue_indirect_dma source(%dma_start3A_120 : memref<10000x128xf32, #tpu.memory_space<hbm>>) target(%dma_start3A_114 : memref<128x128xf32, #tpu.memory_space<vmem>>) offsets(%dma_start3A_117 : memref<128xi32, #tpu.memory_space<vmem>>) semaphore(%arg12 : memref<!tpu.dma_semaphore, #tpu.memory_space<semaphore_mem>>)
      %scan3A_121 = arith.constant 0 : i32
      %scan3A_122 = arith.constant 21 : i32
      %scan3A_123 = arith.addi %scan3A_121, %scan3A_122 : i32
      %scan3A_124 = arith.constant 1 : i32
      scf.for %scan3A_126 = %scan3A_121 to %scan3A_123 step %scan3A_124  : i32 {
        %mul3A = arith.constant 1 : i32
        %mul3A_127 = arith.muli %scan3A_126, %mul3A : i32
        %add3A_128 = arith.constant 0 : i32
        %add3A_129 = arith.addi %add3A_128, %mul3A_127 : i32
        %mul3A_130 = arith.constant 2 : i32
        %mul3A_131 = arith.muli %mul3A_130, %add3A_129 : i32
        %add3A_132 = arith.constant 0 : i32
        %add3A_133 = arith.addi %mul3A_131, %add3A_132 : i32
        %mul3A_134 = arith.constant 16 : i32
        %mul3A_135 = arith.muli %add3A_133, %mul3A_134 : i32
        %add3A_136 = arith.addi %add3A_23, %mul3A_135 : i32
        %dma_wait3A_137 = arith.constant 0 : i32
        %dma_wait3A_138 = arith.constant 0 : i32
        %dma_wait3A_139 = arith.constant 0 : i32
        %dma_wait3A_140 = arith.constant 0 : i32
        %dma_wait3A_141 = arith.constant 0 : i32
        %dma_wait3A_142 = tpu.memref_slice %arg8[%dma_wait3A_139, %dma_wait3A_140, %dma_wait3A_141] : memref<2x128x128xf32, #tpu.memory_space<vmem>> -> memref<1x128x128xf32, #tpu.memory_space<vmem>>
        %dma_wait3A_143 = tpu.memref_squeeze %dma_wait3A_142 : memref<1x128x128xf32, #tpu.memory_space<vmem>> -> memref<128x128xf32, #tpu.memory_space<vmem>>
        %dma_wait3A_144 = arith.constant 0 : i32
        %dma_wait3A_145 = tpu.memref_slice %arg6[%dma_wait3A_137, %dma_wait3A_138, %dma_wait3A_144] : memref<2x1x128xi32, #tpu.memory_space<vmem>> -> memref<1x1x128xi32, #tpu.memory_space<vmem>>
        %dma_wait3A_146 = tpu.memref_squeeze %dma_wait3A_145 : memref<1x1x128xi32, #tpu.memory_space<vmem>> -> memref<128xi32, #tpu.memory_space<vmem>>
        %dma_wait3A_147 = arith.constant 0 : i32
        %dma_wait3A_148 = arith.constant 0 : i32
        %dma_wait3A_149 = tpu.memref_slice %arg2[%dma_wait3A_147, %dma_wait3A_148] : memref<10000x128xf32, #tpu.memory_space<hbm>> -> memref<10000x128xf32, #tpu.memory_space<hbm>>
        tpu.wait_indirect_dma semaphore(%arg12 : memref<!tpu.dma_semaphore, #tpu.memory_space<semaphore_mem>>) src(%dma_wait3A_149 : memref<10000x128xf32, #tpu.memory_space<hbm>>) dst(%dma_wait3A_143 : memref<128x128xf32, #tpu.memory_space<vmem>>)
        %add3A_150 = arith.constant 16 : i32
        %add3A_151 = arith.addi %add3A_136, %add3A_150 : i32
        %dma_wait3A_152 = arith.constant 1 : i32
        %dma_wait3A_153 = arith.constant 0 : i32
        %dma_wait3A_154 = arith.constant 0 : i32
        %dma_wait3A_155 = tpu.memref_slice %arg6[%dma_wait3A_152, %dma_wait3A_153, %dma_wait3A_154] : memref<2x1x128xi32, #tpu.memory_space<vmem>> -> memref<1x1x128xi32, #tpu.memory_space<vmem>>
        %dma_wait3A_156 = tpu.memref_squeeze %dma_wait3A_155 : memref<1x1x128xi32, #tpu.memory_space<vmem>> -> memref<1x128xi32, #tpu.memory_space<vmem>>
        %dma_wait3A_157 = arith.constant 0 : i32
        %dma_wait3A_158 = tpu.memref_slice %arg3[%add3A_151, %dma_wait3A_157] : memref<2560x128xi32, #tpu.memory_space<hbm>> -> memref<1x128xi32, #tpu.memory_space<hbm>>
        %dma_wait3A_159 = arith.constant 0 : i32
        %dma_wait3A_160 = arith.constant 0 : i32
        %dma_wait3A_161 = tpu.memref_slice %arg6[%dma_wait3A_152, %dma_wait3A_159, %dma_wait3A_160] : memref<2x1x128xi32, #tpu.memory_space<vmem>> -> memref<1x1x128xi32, #tpu.memory_space<vmem>>
        %dma_wait3A_162 = tpu.memref_squeeze %dma_wait3A_161 : memref<1x1x128xi32, #tpu.memory_space<vmem>> -> memref<1x128xi32, #tpu.memory_space<vmem>>
        %dma_wait3A_163 = arith.constant 0 : i32
        %dma_wait3A_164 = tpu.memref_slice %arg3[%add3A_151, %dma_wait3A_163] : memref<2560x128xi32, #tpu.memory_space<hbm>> -> memref<1x128xi32, #tpu.memory_space<hbm>>
        tpu.wait_dma2 semaphore(%arg11 : memref<!tpu.dma_semaphore, #tpu.memory_space<semaphore_mem>>) src(%dma_wait3A_164 : memref<1x128xi32, #tpu.memory_space<hbm>>) dst(%dma_wait3A_162 : memref<1x128xi32, #tpu.memory_space<vmem>>)
        %dma_wait3A_165 = arith.constant 1 : i32
        %dma_wait3A_166 = arith.constant 0 : i32
        %dma_wait3A_167 = arith.constant 0 : i32
        %dma_wait3A_168 = tpu.memref_slice %arg7[%dma_wait3A_165, %dma_wait3A_166, %dma_wait3A_167] : memref<2x1x128xi32, #tpu.memory_space<vmem>> -> memref<1x1x128xi32, #tpu.memory_space<vmem>>
        %dma_wait3A_169 = tpu.memref_squeeze %dma_wait3A_168 : memref<1x1x128xi32, #tpu.memory_space<vmem>> -> memref<1x128xi32, #tpu.memory_space<vmem>>
        %dma_wait3A_170 = arith.constant 0 : i32
        %dma_wait3A_171 = tpu.memref_slice %arg4[%add3A_151, %dma_wait3A_170] : memref<2560x128xi32, #tpu.memory_space<hbm>> -> memref<1x128xi32, #tpu.memory_space<hbm>>
        %dma_wait3A_172 = arith.constant 0 : i32
        %dma_wait3A_173 = arith.constant 0 : i32
        %dma_wait3A_174 = tpu.memref_slice %arg7[%dma_wait3A_165, %dma_wait3A_172, %dma_wait3A_173] : memref<2x1x128xi32, #tpu.memory_space<vmem>> -> memref<1x1x128xi32, #tpu.memory_space<vmem>>
        %dma_wait3A_175 = tpu.memref_squeeze %dma_wait3A_174 : memref<1x1x128xi32, #tpu.memory_space<vmem>> -> memref<1x128xi32, #tpu.memory_space<vmem>>
        %dma_wait3A_176 = arith.constant 0 : i32
        %dma_wait3A_177 = tpu.memref_slice %arg4[%add3A_151, %dma_wait3A_176] : memref<2560x128xi32, #tpu.memory_space<hbm>> -> memref<1x128xi32, #tpu.memory_space<hbm>>
        tpu.wait_dma2 semaphore(%arg11 : memref<!tpu.dma_semaphore, #tpu.memory_space<semaphore_mem>>) src(%dma_wait3A_177 : memref<1x128xi32, #tpu.memory_space<hbm>>) dst(%dma_wait3A_175 : memref<1x128xi32, #tpu.memory_space<vmem>>)
        %dma_start3A_178 = arith.constant 1 : i32
        %dma_start3A_179 = arith.constant 0 : i32
        %dma_start3A_180 = arith.constant 1 : i32
        %dma_start3A_181 = arith.constant 0 : i32
        %dma_start3A_182 = arith.constant 0 : i32
        %dma_start3A_183 = tpu.memref_slice %arg8[%dma_start3A_180, %dma_start3A_181, %dma_start3A_182] : memref<2x128x128xf32, #tpu.memory_space<vmem>> -> memref<1x128x128xf32, #tpu.memory_space<vmem>>
        %dma_start3A_184 = tpu.memref_squeeze %dma_start3A_183 : memref<1x128x128xf32, #tpu.memory_space<vmem>> -> memref<128x128xf32, #tpu.memory_space<vmem>>
        %dma_start3A_185 = arith.constant 0 : i32
        %dma_start3A_186 = tpu.memref_slice %arg6[%dma_start3A_178, %dma_start3A_179, %dma_start3A_185] : memref<2x1x128xi32, #tpu.memory_space<vmem>> -> memref<1x1x128xi32, #tpu.memory_space<vmem>>
        %dma_start3A_187 = tpu.memref_squeeze %dma_start3A_186 : memref<1x1x128xi32, #tpu.memory_space<vmem>> -> memref<128xi32, #tpu.memory_space<vmem>>
        %dma_start3A_188 = arith.constant 0 : i32
        %dma_start3A_189 = arith.constant 0 : i32
        %dma_start3A_190 = tpu.memref_slice %arg2[%dma_start3A_188, %dma_start3A_189] : memref<10000x128xf32, #tpu.memory_space<hbm>> -> memref<10000x128xf32, #tpu.memory_space<hbm>>
        tpu.enqueue_indirect_dma source(%dma_start3A_190 : memref<10000x128xf32, #tpu.memory_space<hbm>>) target(%dma_start3A_184 : memref<128x128xf32, #tpu.memory_space<vmem>>) offsets(%dma_start3A_187 : memref<128xi32, #tpu.memory_space<vmem>>) semaphore(%arg13 : memref<!tpu.dma_semaphore, #tpu.memory_space<semaphore_mem>>)
        %run_scoped3A = arith.constant 0 : i32
        %run_scoped3A_191 = arith.constant 0 : i32
        %run_scoped3A_192 = arith.constant 0 : i32
        "tpu.region"() ({
          %run_scoped3A_230 = tpu.sem_alloc : memref<!tpu.dma_semaphore, #tpu.memory_space<semaphore_mem>>
          %dma_start3A_231 = arith.constant 0 : i32
          %dma_start3A_232 = arith.constant 0 : i32
          %dma_start3A_233 = tpu.memref_slice %arg8[%run_scoped3A, %dma_start3A_231, %dma_start3A_232] : memref<2x128x128xf32, #tpu.memory_space<vmem>> -> memref<1x128x128xf32, #tpu.memory_space<vmem>>
          %dma_start3A_234 = tpu.memref_squeeze %dma_start3A_233 : memref<1x128x128xf32, #tpu.memory_space<vmem>> -> memref<128x128xf32, #tpu.memory_space<vmem>>
          %dma_start3A_235 = arith.constant 0 : i32
          %dma_start3A_236 = tpu.memref_slice %arg7[%run_scoped3A_191, %run_scoped3A_192, %dma_start3A_235] : memref<2x1x128xi32, #tpu.memory_space<vmem>> -> memref<1x1x128xi32, #tpu.memory_space<vmem>>
          %dma_start3A_237 = tpu.memref_squeeze %dma_start3A_236 : memref<1x1x128xi32, #tpu.memory_space<vmem>> -> memref<128xi32, #tpu.memory_space<vmem>>
          %dma_start3A_238 = arith.constant 0 : i32
          %dma_start3A_239 = arith.constant 0 : i32
          %dma_start3A_240 = tpu.memref_slice %arg9[%dma_start3A_238, %dma_start3A_239] : memref<10240x128xf32, #tpu.memory_space<vmem_shared>> -> memref<10240x128xf32, #tpu.memory_space<vmem_shared>>
          tpu.enqueue_indirect_dma source(%dma_start3A_234 : memref<128x128xf32, #tpu.memory_space<vmem>>) target(%dma_start3A_240 : memref<10240x128xf32, #tpu.memory_space<vmem_shared>>) offsets(%dma_start3A_237 : memref<128xi32, #tpu.memory_space<vmem>>) semaphore(%run_scoped3A_230 : memref<!tpu.dma_semaphore, #tpu.memory_space<semaphore_mem>>) {add = true}
          %dma_wait3A_241 = arith.constant 0 : i32
          %dma_wait3A_242 = arith.constant 0 : i32
          %dma_wait3A_243 = tpu.memref_slice %arg8[%run_scoped3A, %dma_wait3A_241, %dma_wait3A_242] : memref<2x128x128xf32, #tpu.memory_space<vmem>> -> memref<1x128x128xf32, #tpu.memory_space<vmem>>
          %dma_wait3A_244 = tpu.memref_squeeze %dma_wait3A_243 : memref<1x128x128xf32, #tpu.memory_space<vmem>> -> memref<128x128xf32, #tpu.memory_space<vmem>>
          %dma_wait3A_245 = arith.constant 0 : i32
          %dma_wait3A_246 = tpu.memref_slice %arg7[%run_scoped3A_191, %run_scoped3A_192, %dma_wait3A_245] : memref<2x1x128xi32, #tpu.memory_space<vmem>> -> memref<1x1x128xi32, #tpu.memory_space<vmem>>
          %dma_wait3A_247 = tpu.memref_squeeze %dma_wait3A_246 : memref<1x1x128xi32, #tpu.memory_space<vmem>> -> memref<128xi32, #tpu.memory_space<vmem>>
          %dma_wait3A_248 = arith.constant 0 : i32
          %dma_wait3A_249 = arith.constant 0 : i32
          %dma_wait3A_250 = tpu.memref_slice %arg9[%dma_wait3A_248, %dma_wait3A_249] : memref<10240x128xf32, #tpu.memory_space<vmem_shared>> -> memref<10240x128xf32, #tpu.memory_space<vmem_shared>>
          tpu.wait_indirect_dma semaphore(%run_scoped3A_230 : memref<!tpu.dma_semaphore, #tpu.memory_space<semaphore_mem>>) src(%dma_wait3A_244 : memref<128x128xf32, #tpu.memory_space<vmem>>) dst(%dma_wait3A_250 : memref<10240x128xf32, #tpu.memory_space<vmem_shared>>)
          tpu.yield
        }) : () -> ()
        %lt3A = arith.constant 20 : i32
        %lt3A_193 = arith.cmpi slt, %add3A_129, %lt3A : i32
        %convert_element_type3A_194 = arith.extui %lt3A_193 : i1 to i32
        %cond3A_195 = arith.constant 0 : i32
        %cond3A_196 = arith.cmpi ne, %convert_element_type3A_194, %cond3A_195 : i32
        scf.if %cond3A_196 {
          %add3A_230 = arith.constant 32 : i32
          %add3A_231 = arith.addi %add3A_136, %add3A_230 : i32
          %dma_start3A_232 = arith.constant 0 : i32
          %dma_start3A_233 = arith.constant 0 : i32
          %dma_start3A_234 = arith.constant 0 : i32
          %dma_start3A_235 = tpu.memref_slice %arg6[%dma_start3A_232, %dma_start3A_233, %dma_start3A_234] : memref<2x1x128xi32, #tpu.memory_space<vmem>> -> memref<1x1x128xi32, #tpu.memory_space<vmem>>
          %dma_start3A_236 = tpu.memref_squeeze %dma_start3A_235 : memref<1x1x128xi32, #tpu.memory_space<vmem>> -> memref<1x128xi32, #tpu.memory_space<vmem>>
          %dma_start3A_237 = arith.constant 0 : i32
          %dma_start3A_238 = tpu.memref_slice %arg3[%add3A_231, %dma_start3A_237] : memref<2560x128xi32, #tpu.memory_space<hbm>> -> memref<1x128xi32, #tpu.memory_space<hbm>>
          %dma_start3A_239 = arith.constant 0 : i32
          %dma_start3A_240 = arith.constant 0 : i32
          %dma_start3A_241 = tpu.memref_slice %arg6[%dma_start3A_232, %dma_start3A_239, %dma_start3A_240] : memref<2x1x128xi32, #tpu.memory_space<vmem>> -> memref<1x1x128xi32, #tpu.memory_space<vmem>>
          %dma_start3A_242 = tpu.memref_squeeze %dma_start3A_241 : memref<1x1x128xi32, #tpu.memory_space<vmem>> -> memref<1x128xi32, #tpu.memory_space<vmem>>
          %dma_start3A_243 = arith.constant 0 : i32
          %dma_start3A_244 = tpu.memref_slice %arg3[%add3A_231, %dma_start3A_243] : memref<2560x128xi32, #tpu.memory_space<hbm>> -> memref<1x128xi32, #tpu.memory_space<hbm>>
          tpu.enqueue_dma source(%dma_start3A_244 : memref<1x128xi32, #tpu.memory_space<hbm>>) target(%dma_start3A_242 : memref<1x128xi32, #tpu.memory_space<vmem>>) target_semaphore(%arg10 : memref<!tpu.dma_semaphore, #tpu.memory_space<semaphore_mem>>)
          %dma_start3A_245 = arith.constant 0 : i32
          %dma_start3A_246 = arith.constant 0 : i32
          %dma_start3A_247 = arith.constant 0 : i32
          %dma_start3A_248 = tpu.memref_slice %arg7[%dma_start3A_245, %dma_start3A_246, %dma_start3A_247] : memref<2x1x128xi32, #tpu.memory_space<vmem>> -> memref<1x1x128xi32, #tpu.memory_space<vmem>>
          %dma_start3A_249 = tpu.memref_squeeze %dma_start3A_248 : memref<1x1x128xi32, #tpu.memory_space<vmem>> -> memref<1x128xi32, #tpu.memory_space<vmem>>
          %dma_start3A_250 = arith.constant 0 : i32
          %dma_start3A_251 = tpu.memref_slice %arg4[%add3A_231, %dma_start3A_250] : memref<2560x128xi32, #tpu.memory_space<hbm>> -> memref<1x128xi32, #tpu.memory_space<hbm>>
          %dma_start3A_252 = arith.constant 0 : i32
          %dma_start3A_253 = arith.constant 0 : i32
          %dma_start3A_254 = tpu.memref_slice %arg7[%dma_start3A_245, %dma_start3A_252, %dma_start3A_253] : memref<2x1x128xi32, #tpu.memory_space<vmem>> -> memref<1x1x128xi32, #tpu.memory_space<vmem>>
          %dma_start3A_255 = tpu.memref_squeeze %dma_start3A_254 : memref<1x1x128xi32, #tpu.memory_space<vmem>> -> memref<1x128xi32, #tpu.memory_space<vmem>>
          %dma_start3A_256 = arith.constant 0 : i32
          %dma_start3A_257 = tpu.memref_slice %arg4[%add3A_231, %dma_start3A_256] : memref<2560x128xi32, #tpu.memory_space<hbm>> -> memref<1x128xi32, #tpu.memory_space<hbm>>
          tpu.enqueue_dma source(%dma_start3A_257 : memref<1x128xi32, #tpu.memory_space<hbm>>) target(%dma_start3A_255 : memref<1x128xi32, #tpu.memory_space<vmem>>) target_semaphore(%arg10 : memref<!tpu.dma_semaphore, #tpu.memory_space<semaphore_mem>>)
        } else {
        }
        %mul3A_197 = arith.constant 2 : i32
        %mul3A_198 = arith.muli %mul3A_197, %add3A_129 : i32
        %add3A_199 = arith.constant 1 : i32
        %add3A_200 = arith.addi %mul3A_198, %add3A_199 : i32
        %mul3A_201 = arith.constant 16 : i32
        %mul3A_202 = arith.muli %add3A_200, %mul3A_201 : i32
        %add3A_203 = arith.addi %add3A_23, %mul3A_202 : i32
        %dma_wait3A_204 = arith.constant 1 : i32
        %dma_wait3A_205 = arith.constant 0 : i32
        %dma_wait3A_206 = arith.constant 1 : i32
        %dma_wait3A_207 = arith.constant 0 : i32
        %dma_wait3A_208 = arith.constant 0 : i32
        %dma_wait3A_209 = tpu.memref_slice %arg8[%dma_wait3A_206, %dma_wait3A_207, %dma_wait3A_208] : memref<2x128x128xf32, #tpu.memory_space<vmem>> -> memref<1x128x128xf32, #tpu.memory_space<vmem>>
        %dma_wait3A_210 = tpu.memref_squeeze %dma_wait3A_209 : memref<1x128x128xf32, #tpu.memory_space<vmem>> -> memref<128x128xf32, #tpu.memory_space<vmem>>
        %dma_wait3A_211 = arith.constant 0 : i32
        %dma_wait3A_212 = tpu.memref_slice %arg6[%dma_wait3A_204, %dma_wait3A_205, %dma_wait3A_211] : memref<2x1x128xi32, #tpu.memory_space<vmem>> -> memref<1x1x128xi32, #tpu.memory_space<vmem>>
        %dma_wait3A_213 = tpu.memref_squeeze %dma_wait3A_212 : memref<1x1x128xi32, #tpu.memory_space<vmem>> -> memref<128xi32, #tpu.memory_space<vmem>>
        %dma_wait3A_214 = arith.constant 0 : i32
        %dma_wait3A_215 = arith.constant 0 : i32
        %dma_wait3A_216 = tpu.memref_slice %arg2[%dma_wait3A_214, %dma_wait3A_215] : memref<10000x128xf32, #tpu.memory_space<hbm>> -> memref<10000x128xf32, #tpu.memory_space<hbm>>
        tpu.wait_indirect_dma semaphore(%arg13 : memref<!tpu.dma_semaphore, #tpu.memory_space<semaphore_mem>>) src(%dma_wait3A_216 : memref<10000x128xf32, #tpu.memory_space<hbm>>) dst(%dma_wait3A_210 : memref<128x128xf32, #tpu.memory_space<vmem>>)
        %lt3A_217 = arith.constant 20 : i32
        %lt3A_218 = arith.cmpi slt, %add3A_129, %lt3A_217 : i32
        %convert_element_type3A_219 = arith.extui %lt3A_218 : i1 to i32
        %cond3A_220 = arith.constant 0 : i32
        %cond3A_221 = arith.cmpi ne, %convert_element_type3A_219, %cond3A_220 : i32
        scf.if %cond3A_221 {
          %add3A_230 = arith.constant 16 : i32
          %add3A_231 = arith.addi %add3A_203, %add3A_230 : i32
          %dma_wait3A_232 = arith.constant 0 : i32
          %dma_wait3A_233 = arith.constant 0 : i32
          %dma_wait3A_234 = arith.constant 0 : i32
          %dma_wait3A_235 = tpu.memref_slice %arg6[%dma_wait3A_232, %dma_wait3A_233, %dma_wait3A_234] : memref<2x1x128xi32, #tpu.memory_space<vmem>> -> memref<1x1x128xi32, #tpu.memory_space<vmem>>
          %dma_wait3A_236 = tpu.memref_squeeze %dma_wait3A_235 : memref<1x1x128xi32, #tpu.memory_space<vmem>> -> memref<1x128xi32, #tpu.memory_space<vmem>>
          %dma_wait3A_237 = arith.constant 0 : i32
          %dma_wait3A_238 = tpu.memref_slice %arg3[%add3A_231, %dma_wait3A_237] : memref<2560x128xi32, #tpu.memory_space<hbm>> -> memref<1x128xi32, #tpu.memory_space<hbm>>
          %dma_wait3A_239 = arith.constant 0 : i32
          %dma_wait3A_240 = arith.constant 0 : i32
          %dma_wait3A_241 = tpu.memref_slice %arg6[%dma_wait3A_232, %dma_wait3A_239, %dma_wait3A_240] : memref<2x1x128xi32, #tpu.memory_space<vmem>> -> memref<1x1x128xi32, #tpu.memory_space<vmem>>
          %dma_wait3A_242 = tpu.memref_squeeze %dma_wait3A_241 : memref<1x1x128xi32, #tpu.memory_space<vmem>> -> memref<1x128xi32, #tpu.memory_space<vmem>>
          %dma_wait3A_243 = arith.constant 0 : i32
          %dma_wait3A_244 = tpu.memref_slice %arg3[%add3A_231, %dma_wait3A_243] : memref<2560x128xi32, #tpu.memory_space<hbm>> -> memref<1x128xi32, #tpu.memory_space<hbm>>
          tpu.wait_dma2 semaphore(%arg10 : memref<!tpu.dma_semaphore, #tpu.memory_space<semaphore_mem>>) src(%dma_wait3A_244 : memref<1x128xi32, #tpu.memory_space<hbm>>) dst(%dma_wait3A_242 : memref<1x128xi32, #tpu.memory_space<vmem>>)
          %dma_wait3A_245 = arith.constant 0 : i32
          %dma_wait3A_246 = arith.constant 0 : i32
          %dma_wait3A_247 = arith.constant 0 : i32
          %dma_wait3A_248 = tpu.memref_slice %arg7[%dma_wait3A_245, %dma_wait3A_246, %dma_wait3A_247] : memref<2x1x128xi32, #tpu.memory_space<vmem>> -> memref<1x1x128xi32, #tpu.memory_space<vmem>>
          %dma_wait3A_249 = tpu.memref_squeeze %dma_wait3A_248 : memref<1x1x128xi32, #tpu.memory_space<vmem>> -> memref<1x128xi32, #tpu.memory_space<vmem>>
          %dma_wait3A_250 = arith.constant 0 : i32
          %dma_wait3A_251 = tpu.memref_slice %arg4[%add3A_231, %dma_wait3A_250] : memref<2560x128xi32, #tpu.memory_space<hbm>> -> memref<1x128xi32, #tpu.memory_space<hbm>>
          %dma_wait3A_252 = arith.constant 0 : i32
          %dma_wait3A_253 = arith.constant 0 : i32
          %dma_wait3A_254 = tpu.memref_slice %arg7[%dma_wait3A_245, %dma_wait3A_252, %dma_wait3A_253] : memref<2x1x128xi32, #tpu.memory_space<vmem>> -> memref<1x1x128xi32, #tpu.memory_space<vmem>>
          %dma_wait3A_255 = tpu.memref_squeeze %dma_wait3A_254 : memref<1x1x128xi32, #tpu.memory_space<vmem>> -> memref<1x128xi32, #tpu.memory_space<vmem>>
          %dma_wait3A_256 = arith.constant 0 : i32
          %dma_wait3A_257 = tpu.memref_slice %arg4[%add3A_231, %dma_wait3A_256] : memref<2560x128xi32, #tpu.memory_space<hbm>> -> memref<1x128xi32, #tpu.memory_space<hbm>>
          tpu.wait_dma2 semaphore(%arg10 : memref<!tpu.dma_semaphore, #tpu.memory_space<semaphore_mem>>) src(%dma_wait3A_257 : memref<1x128xi32, #tpu.memory_space<hbm>>) dst(%dma_wait3A_255 : memref<1x128xi32, #tpu.memory_space<vmem>>)
          %dma_start3A_258 = arith.constant 0 : i32
          %dma_start3A_259 = arith.constant 0 : i32
          %dma_start3A_260 = arith.constant 0 : i32
          %dma_start3A_261 = arith.constant 0 : i32
          %dma_start3A_262 = arith.constant 0 : i32
          %dma_start3A_263 = tpu.memref_slice %arg8[%dma_start3A_260, %dma_start3A_261, %dma_start3A_262] : memref<2x128x128xf32, #tpu.memory_space<vmem>> -> memref<1x128x128xf32, #tpu.memory_space<vmem>>
          %dma_start3A_264 = tpu.memref_squeeze %dma_start3A_263 : memref<1x128x128xf32, #tpu.memory_space<vmem>> -> memref<128x128xf32, #tpu.memory_space<vmem>>
          %dma_start3A_265 = arith.constant 0 : i32
          %dma_start3A_266 = tpu.memref_slice %arg6[%dma_start3A_258, %dma_start3A_259, %dma_start3A_265] : memref<2x1x128xi32, #tpu.memory_space<vmem>> -> memref<1x1x128xi32, #tpu.memory_space<vmem>>
          %dma_start3A_267 = tpu.memref_squeeze %dma_start3A_266 : memref<1x1x128xi32, #tpu.memory_space<vmem>> -> memref<128xi32, #tpu.memory_space<vmem>>
          %dma_start3A_268 = arith.constant 0 : i32
          %dma_start3A_269 = arith.constant 0 : i32
          %dma_start3A_270 = tpu.memref_slice %arg2[%dma_start3A_268, %dma_start3A_269] : memref<10000x128xf32, #tpu.memory_space<hbm>> -> memref<10000x128xf32, #tpu.memory_space<hbm>>
          tpu.enqueue_indirect_dma source(%dma_start3A_270 : memref<10000x128xf32, #tpu.memory_space<hbm>>) target(%dma_start3A_264 : memref<128x128xf32, #tpu.memory_space<vmem>>) offsets(%dma_start3A_267 : memref<128xi32, #tpu.memory_space<vmem>>) semaphore(%arg12 : memref<!tpu.dma_semaphore, #tpu.memory_space<semaphore_mem>>)
        } else {
        }
        %run_scoped3A_222 = arith.constant 1 : i32
        %run_scoped3A_223 = arith.constant 1 : i32
        %run_scoped3A_224 = arith.constant 0 : i32
        "tpu.region"() ({
          %run_scoped3A_230 = tpu.sem_alloc : memref<!tpu.dma_semaphore, #tpu.memory_space<semaphore_mem>>
          %dma_start3A_231 = arith.constant 0 : i32
          %dma_start3A_232 = arith.constant 0 : i32
          %dma_start3A_233 = tpu.memref_slice %arg8[%run_scoped3A_222, %dma_start3A_231, %dma_start3A_232] : memref<2x128x128xf32, #tpu.memory_space<vmem>> -> memref<1x128x128xf32, #tpu.memory_space<vmem>>
          %dma_start3A_234 = tpu.memref_squeeze %dma_start3A_233 : memref<1x128x128xf32, #tpu.memory_space<vmem>> -> memref<128x128xf32, #tpu.memory_space<vmem>>
          %dma_start3A_235 = arith.constant 0 : i32
          %dma_start3A_236 = tpu.memref_slice %arg7[%run_scoped3A_223, %run_scoped3A_224, %dma_start3A_235] : memref<2x1x128xi32, #tpu.memory_space<vmem>> -> memref<1x1x128xi32, #tpu.memory_space<vmem>>
          %dma_start3A_237 = tpu.memref_squeeze %dma_start3A_236 : memref<1x1x128xi32, #tpu.memory_space<vmem>> -> memref<128xi32, #tpu.memory_space<vmem>>
          %dma_start3A_238 = arith.constant 0 : i32
          %dma_start3A_239 = arith.constant 0 : i32
          %dma_start3A_240 = tpu.memref_slice %arg9[%dma_start3A_238, %dma_start3A_239] : memref<10240x128xf32, #tpu.memory_space<vmem_shared>> -> memref<10240x128xf32, #tpu.memory_space<vmem_shared>>
          tpu.enqueue_indirect_dma source(%dma_start3A_234 : memref<128x128xf32, #tpu.memory_space<vmem>>) target(%dma_start3A_240 : memref<10240x128xf32, #tpu.memory_space<vmem_shared>>) offsets(%dma_start3A_237 : memref<128xi32, #tpu.memory_space<vmem>>) semaphore(%run_scoped3A_230 : memref<!tpu.dma_semaphore, #tpu.memory_space<semaphore_mem>>) {add = true}
          %dma_wait3A_241 = arith.constant 0 : i32
          %dma_wait3A_242 = arith.constant 0 : i32
          %dma_wait3A_243 = tpu.memref_slice %arg8[%run_scoped3A_222, %dma_wait3A_241, %dma_wait3A_242] : memref<2x128x128xf32, #tpu.memory_space<vmem>> -> memref<1x128x128xf32, #tpu.memory_space<vmem>>
          %dma_wait3A_244 = tpu.memref_squeeze %dma_wait3A_243 : memref<1x128x128xf32, #tpu.memory_space<vmem>> -> memref<128x128xf32, #tpu.memory_space<vmem>>
          %dma_wait3A_245 = arith.constant 0 : i32
          %dma_wait3A_246 = tpu.memref_slice %arg7[%run_scoped3A_223, %run_scoped3A_224, %dma_wait3A_245] : memref<2x1x128xi32, #tpu.memory_space<vmem>> -> memref<1x1x128xi32, #tpu.memory_space<vmem>>
          %dma_wait3A_247 = tpu.memref_squeeze %dma_wait3A_246 : memref<1x1x128xi32, #tpu.memory_space<vmem>> -> memref<128xi32, #tpu.memory_space<vmem>>
          %dma_wait3A_248 = arith.constant 0 : i32
          %dma_wait3A_249 = arith.constant 0 : i32
          %dma_wait3A_250 = tpu.memref_slice %arg9[%dma_wait3A_248, %dma_wait3A_249] : memref<10240x128xf32, #tpu.memory_space<vmem_shared>> -> memref<10240x128xf32, #tpu.memory_space<vmem_shared>>
          tpu.wait_indirect_dma semaphore(%run_scoped3A_230 : memref<!tpu.dma_semaphore, #tpu.memory_space<semaphore_mem>>) src(%dma_wait3A_244 : memref<128x128xf32, #tpu.memory_space<vmem>>) dst(%dma_wait3A_250 : memref<10240x128xf32, #tpu.memory_space<vmem_shared>>)
          tpu.yield
        }) : () -> ()
        %lt3A_225 = arith.constant 20 : i32
        %lt3A_226 = arith.cmpi slt, %add3A_129, %lt3A_225 : i32
        %convert_element_type3A_227 = arith.extui %lt3A_226 : i1 to i32
        %cond3A_228 = arith.constant 0 : i32
        %cond3A_229 = arith.cmpi ne, %convert_element_type3A_227, %cond3A_228 : i32
        scf.if %cond3A_229 {
          %add3A_230 = arith.constant 32 : i32
          %add3A_231 = arith.addi %add3A_203, %add3A_230 : i32
          %dma_start3A_232 = arith.constant 1 : i32
          %dma_start3A_233 = arith.constant 0 : i32
          %dma_start3A_234 = arith.constant 0 : i32
          %dma_start3A_235 = tpu.memref_slice %arg6[%dma_start3A_232, %dma_start3A_233, %dma_start3A_234] : memref<2x1x128xi32, #tpu.memory_space<vmem>> -> memref<1x1x128xi32, #tpu.memory_space<vmem>>
          %dma_start3A_236 = tpu.memref_squeeze %dma_start3A_235 : memref<1x1x128xi32, #tpu.memory_space<vmem>> -> memref<1x128xi32, #tpu.memory_space<vmem>>
          %dma_start3A_237 = arith.constant 0 : i32
          %dma_start3A_238 = tpu.memref_slice %arg3[%add3A_231, %dma_start3A_237] : memref<2560x128xi32, #tpu.memory_space<hbm>> -> memref<1x128xi32, #tpu.memory_space<hbm>>
          %dma_start3A_239 = arith.constant 0 : i32
          %dma_start3A_240 = arith.constant 0 : i32
          %dma_start3A_241 = tpu.memref_slice %arg6[%dma_start3A_232, %dma_start3A_239, %dma_start3A_240] : memref<2x1x128xi32, #tpu.memory_space<vmem>> -> memref<1x1x128xi32, #tpu.memory_space<vmem>>
          %dma_start3A_242 = tpu.memref_squeeze %dma_start3A_241 : memref<1x1x128xi32, #tpu.memory_space<vmem>> -> memref<1x128xi32, #tpu.memory_space<vmem>>
          %dma_start3A_243 = arith.constant 0 : i32
          %dma_start3A_244 = tpu.memref_slice %arg3[%add3A_231, %dma_start3A_243] : memref<2560x128xi32, #tpu.memory_space<hbm>> -> memref<1x128xi32, #tpu.memory_space<hbm>>
          tpu.enqueue_dma source(%dma_start3A_244 : memref<1x128xi32, #tpu.memory_space<hbm>>) target(%dma_start3A_242 : memref<1x128xi32, #tpu.memory_space<vmem>>) target_semaphore(%arg11 : memref<!tpu.dma_semaphore, #tpu.memory_space<semaphore_mem>>)
          %dma_start3A_245 = arith.constant 1 : i32
          %dma_start3A_246 = arith.constant 0 : i32
          %dma_start3A_247 = arith.constant 0 : i32
          %dma_start3A_248 = tpu.memref_slice %arg7[%dma_start3A_245, %dma_start3A_246, %dma_start3A_247] : memref<2x1x128xi32, #tpu.memory_space<vmem>> -> memref<1x1x128xi32, #tpu.memory_space<vmem>>
          %dma_start3A_249 = tpu.memref_squeeze %dma_start3A_248 : memref<1x1x128xi32, #tpu.memory_space<vmem>> -> memref<1x128xi32, #tpu.memory_space<vmem>>
          %dma_start3A_250 = arith.constant 0 : i32
          %dma_start3A_251 = tpu.memref_slice %arg4[%add3A_231, %dma_start3A_250] : memref<2560x128xi32, #tpu.memory_space<hbm>> -> memref<1x128xi32, #tpu.memory_space<hbm>>
          %dma_start3A_252 = arith.constant 0 : i32
          %dma_start3A_253 = arith.constant 0 : i32
          %dma_start3A_254 = tpu.memref_slice %arg7[%dma_start3A_245, %dma_start3A_252, %dma_start3A_253] : memref<2x1x128xi32, #tpu.memory_space<vmem>> -> memref<1x1x128xi32, #tpu.memory_space<vmem>>
          %dma_start3A_255 = tpu.memref_squeeze %dma_start3A_254 : memref<1x1x128xi32, #tpu.memory_space<vmem>> -> memref<1x128xi32, #tpu.memory_space<vmem>>
          %dma_start3A_256 = arith.constant 0 : i32
          %dma_start3A_257 = tpu.memref_slice %arg4[%add3A_231, %dma_start3A_256] : memref<2560x128xi32, #tpu.memory_space<hbm>> -> memref<1x128xi32, #tpu.memory_space<hbm>>
          tpu.enqueue_dma source(%dma_start3A_257 : memref<1x128xi32, #tpu.memory_space<hbm>>) target(%dma_start3A_255 : memref<1x128xi32, #tpu.memory_space<vmem>>) target_semaphore(%arg11 : memref<!tpu.dma_semaphore, #tpu.memory_space<semaphore_mem>>)
        } else {
        }
      }
      %scan3A_125 = arith.constant 21 : i32
    } else {
    }
    %barrier3A_17 = arith.constant 0 : index
    tpu.barrier barrier_id(%barrier3A_17)
    %scan3A_18 = arith.constant 0 : i32
    %scan3A_19 = arith.constant 5 : i32
    %scan3A_20 = arith.addi %scan3A_18, %scan3A_19 : i32
    %scan3A_21 = arith.constant 1 : i32
    scf.for %scan3A_23 = %scan3A_18 to %scan3A_20 step %scan3A_21  : i32 {
      %mul3A = arith.constant 1 : i32
      %mul3A_24 = arith.muli %scan3A_23, %mul3A : i32
      %add3A = arith.constant 0 : i32
      %add3A_25 = arith.addi %add3A, %mul3A_24 : i32
      %mul3A_26 = arith.constant 640 : i32
      %mul3A_27 = arith.muli %arg1, %mul3A_26 : i32
      %mul3A_28 = arith.constant 128 : i32
      %mul3A_29 = arith.muli %add3A_25, %mul3A_28 : i32
      %add3A_30 = arith.addi %mul3A_27, %mul3A_29 : i32
      "tpu.region"() ({
        %run_scoped3A = tpu.sem_alloc : memref<!tpu.dma_semaphore, #tpu.memory_space<semaphore_mem>>
        %dma_start3A = arith.constant 0 : i32
        %dma_start3A_31 = tpu.memref_slice %arg5[%arg0, %add3A_30, %dma_start3A] : memref<2x10240x128xf32, #tpu.memory_space<hbm>> -> memref<1x128x128xf32, #tpu.memory_space<hbm>>
        %dma_start3A_32 = tpu.memref_squeeze %dma_start3A_31 : memref<1x128x128xf32, #tpu.memory_space<hbm>> -> memref<128x128xf32, #tpu.memory_space<hbm>>
        %dma_start3A_33 = arith.constant 0 : i32
        %dma_start3A_34 = tpu.memref_slice %arg9[%add3A_30, %dma_start3A_33] : memref<10240x128xf32, #tpu.memory_space<vmem_shared>> -> memref<128x128xf32, #tpu.memory_space<vmem_shared>>
        tpu.enqueue_dma source(%dma_start3A_34 : memref<128x128xf32, #tpu.memory_space<vmem_shared>>) target(%dma_start3A_32 : memref<128x128xf32, #tpu.memory_space<hbm>>) target_semaphore(%run_scoped3A : memref<!tpu.dma_semaphore, #tpu.memory_space<semaphore_mem>>)
        %dma_wait3A = arith.constant 0 : i32
        %dma_wait3A_35 = tpu.memref_slice %arg5[%arg0, %add3A_30, %dma_wait3A] : memref<2x10240x128xf32, #tpu.memory_space<hbm>> -> memref<1x128x128xf32, #tpu.memory_space<hbm>>
        %dma_wait3A_36 = tpu.memref_squeeze %dma_wait3A_35 : memref<1x128x128xf32, #tpu.memory_space<hbm>> -> memref<128x128xf32, #tpu.memory_space<hbm>>
        %dma_wait3A_37 = arith.constant 0 : i32
        %dma_wait3A_38 = tpu.memref_slice %arg9[%add3A_30, %dma_wait3A_37] : memref<10240x128xf32, #tpu.memory_space<vmem_shared>> -> memref<128x128xf32, #tpu.memory_space<vmem_shared>>
        tpu.wait_dma2 semaphore(%run_scoped3A : memref<!tpu.dma_semaphore, #tpu.memory_space<semaphore_mem>>) src(%dma_wait3A_38 : memref<128x128xf32, #tpu.memory_space<vmem_shared>>) dst(%dma_wait3A_36 : memref<128x128xf32, #tpu.memory_space<hbm>>)
        tpu.yield
      }) : () -> ()
    }
    %scan3A_22 = arith.constant 5 : i32
    return
  }
}

#map = affine_map<(d0, d1) -> (0, 0)>
module attributes {stable_mosaic.version = 14 : i64} {
  func.func @k(%arg0: i32, %arg1: i32, %arg2: memref<2560x128xi32, #tpu.memory_space<hbm>>, %arg3: memref<2x10240xf32, #tpu.memory_space<hbm>>, %arg4: memref<2x1x128xi32, #tpu.memory_space<vmem>>, %arg5: memref<128xf32, #tpu.memory_space<vmem>>, %arg6: memref<640xf32, #tpu.memory_space<vmem>>, %arg7: memref<10240xf32, #tpu.memory_space<vmem_shared>>, %arg8: memref<!tpu.dma_semaphore, #tpu.memory_space<semaphore_mem>>, %arg9: memref<!tpu.dma_semaphore, #tpu.memory_space<semaphore_mem>>) attributes {dimension_semantics = [#tpu.dimension_semantics<core_parallel>, #tpu.dimension_semantics<subcore_parallel>], iteration_bounds = array<i64: 2, 16>, scalar_prefetch = 0 : i64, scratch_operands = 6 : i64, tpu.core_type = #tpu.core_type<sc_vector_subcore>, window_params = [{transform_indices = #map}, {transform_indices = #map}]} {
    %mul3A = arith.constant 1280 : i32
    %mul3A_0 = arith.muli %arg0, %mul3A : i32
    %add3A = arith.addi %mul3A_0, %arg1 : i32
    %broadcast_in_dim3A = arith.constant 0.000000e+00 : f32
    %broadcast_in_dim3A_1 = vector.broadcast %broadcast_in_dim3A : f32 to vector<16xf32>
    %scan3A = arith.constant 0 : i32
    %scan3A_2 = arith.constant 40 : i32
    %scan3A_3 = arith.addi %scan3A, %scan3A_2 : i32
    %scan3A_4 = arith.constant 1 : i32
    scf.for %scan3A_54 = %scan3A to %scan3A_3 step %scan3A_4  : i32 {
      %mul3A_55 = arith.constant 1 : i32
      %mul3A_56 = arith.muli %scan3A_54, %mul3A_55 : i32
      %add3A_57 = arith.constant 0 : i32
      %add3A_58 = arith.addi %add3A_57, %mul3A_56 : i32
      %mul3A_59 = arith.constant 16 : i32
      %mul3A_60 = arith.muli %add3A_58, %mul3A_59 : i32
      %swap3A = arith.index_cast %mul3A_60 : i32 to index
      %swap3A_61 = tpu.vector_load %arg6[%swap3A] {strides = array<i32>} : memref<640xf32, #tpu.memory_space<vmem>>, vector<16xf32>,
      %swap3A_62 = vector.shape_cast %swap3A_61 : vector<16xf32> to vector<16xf32>
      %swap3A_63 = vector.shape_cast %broadcast_in_dim3A_1 : vector<16xf32> to vector<16xf32>
      tpu.vector_store %arg6[%swap3A], %swap3A_63 {strides = array<i32>} : memref<640xf32, #tpu.memory_space<vmem>>, vector<16xf32>,
    }
    %scan3A_5 = arith.constant 40 : i32
    %broadcast_in_dim3A_6 = arith.constant 1.000000e+00 : f32
    %broadcast_in_dim3A_7 = vector.broadcast %broadcast_in_dim3A_6 : f32 to vector<16xf32>
    %scan3A_8 = arith.constant 0 : i32
    %scan3A_9 = arith.constant 8 : i32
    %scan3A_10 = arith.addi %scan3A_8, %scan3A_9 : i32
    %scan3A_11 = arith.constant 1 : i32
    scf.for %scan3A_54 = %scan3A_8 to %scan3A_10 step %scan3A_11  : i32 {
      %mul3A_55 = arith.constant 1 : i32
      %mul3A_56 = arith.muli %scan3A_54, %mul3A_55 : i32
      %add3A_57 = arith.constant 0 : i32
      %add3A_58 = arith.addi %add3A_57, %mul3A_56 : i32
      %mul3A_59 = arith.constant 16 : i32
      %mul3A_60 = arith.muli %add3A_58, %mul3A_59 : i32
      %swap3A = arith.index_cast %mul3A_60 : i32 to index
      %swap3A_61 = tpu.vector_load %arg5[%swap3A] {strides = array<i32>} : memref<128xf32, #tpu.memory_space<vmem>>, vector<16xf32>,
      %swap3A_62 = vector.shape_cast %swap3A_61 : vector<16xf32> to vector<16xf32>
      %swap3A_63 = vector.shape_cast %broadcast_in_dim3A_7 : vector<16xf32> to vector<16xf32>
      tpu.vector_store %arg5[%swap3A], %swap3A_63 {strides = array<i32>} : memref<128xf32, #tpu.memory_space<vmem>>, vector<16xf32>,
    }
    %scan3A_12 = arith.constant 8 : i32
    %mul3A_13 = arith.constant 640 : i32
    %mul3A_14 = arith.muli %arg1, %mul3A_13 : i32
    "tpu.region"() ({
      %run_scoped3A = tpu.sem_alloc : memref<!tpu.dma_semaphore, #tpu.memory_space<semaphore_mem>>
      %dma_start3A_54 = tpu.memref_slice %arg7[%mul3A_14] : memref<10240xf32, #tpu.memory_space<vmem_shared>> -> memref<640xf32, #tpu.memory_space<vmem_shared>>
      %dma_start3A_55 = tpu.memref_slice %arg7[%mul3A_14] : memref<10240xf32, #tpu.memory_space<vmem_shared>> -> memref<640xf32, #tpu.memory_space<vmem_shared>>
      tpu.enqueue_dma source(%arg6 : memref<640xf32, #tpu.memory_space<vmem>>) target(%dma_start3A_55 : memref<640xf32, #tpu.memory_space<vmem_shared>>) target_semaphore(%run_scoped3A : memref<!tpu.dma_semaphore, #tpu.memory_space<semaphore_mem>>)
      %dma_wait3A = tpu.memref_slice %arg7[%mul3A_14] : memref<10240xf32, #tpu.memory_space<vmem_shared>> -> memref<640xf32, #tpu.memory_space<vmem_shared>>
      %dma_wait3A_56 = tpu.memref_slice %arg7[%mul3A_14] : memref<10240xf32, #tpu.memory_space<vmem_shared>> -> memref<640xf32, #tpu.memory_space<vmem_shared>>
      tpu.wait_dma2 semaphore(%run_scoped3A : memref<!tpu.dma_semaphore, #tpu.memory_space<semaphore_mem>>) src(%arg6 : memref<640xf32, #tpu.memory_space<vmem>>) dst(%dma_wait3A_56 : memref<640xf32, #tpu.memory_space<vmem_shared>>)
      tpu.yield
    }) : () -> ()
    %barrier3A = arith.constant 0 : index
    tpu.barrier barrier_id(%barrier3A)
    %add3A_15 = arith.constant 0 : i32
    %add3A_16 = arith.addi %add3A, %add3A_15 : i32
    %dma_start3A = arith.constant 0 : i32
    %dma_start3A_17 = arith.constant 0 : i32
    %dma_start3A_18 = arith.constant 0 : i32
    %dma_start3A_19 = tpu.memref_slice %arg4[%dma_start3A, %dma_start3A_17, %dma_start3A_18] : memref<2x1x128xi32, #tpu.memory_space<vmem>> -> memref<1x1x128xi32, #tpu.memory_space<vmem>>
    %dma_start3A_20 = tpu.memref_squeeze %dma_start3A_19 : memref<1x1x128xi32, #tpu.memory_space<vmem>> -> memref<1x128xi32, #tpu.memory_space<vmem>>
    %dma_start3A_21 = arith.constant 0 : i32
    %dma_start3A_22 = tpu.memref_slice %arg2[%add3A_16, %dma_start3A_21] : memref<2560x128xi32, #tpu.memory_space<hbm>> -> memref<1x128xi32, #tpu.memory_space<hbm>>
    %dma_start3A_23 = arith.constant 0 : i32
    %dma_start3A_24 = arith.constant 0 : i32
    %dma_start3A_25 = tpu.memref_slice %arg4[%dma_start3A, %dma_start3A_23, %dma_start3A_24] : memref<2x1x128xi32, #tpu.memory_space<vmem>> -> memref<1x1x128xi32, #tpu.memory_space<vmem>>
    %dma_start3A_26 = tpu.memref_squeeze %dma_start3A_25 : memref<1x1x128xi32, #tpu.memory_space<vmem>> -> memref<1x128xi32, #tpu.memory_space<vmem>>
    %dma_start3A_27 = arith.constant 0 : i32
    %dma_start3A_28 = tpu.memref_slice %arg2[%add3A_16, %dma_start3A_27] : memref<2560x128xi32, #tpu.memory_space<hbm>> -> memref<1x128xi32, #tpu.memory_space<hbm>>
    tpu.enqueue_dma source(%dma_start3A_28 : memref<1x128xi32, #tpu.memory_space<hbm>>) target(%dma_start3A_26 : memref<1x128xi32, #tpu.memory_space<vmem>>) target_semaphore(%arg8 : memref<!tpu.dma_semaphore, #tpu.memory_space<semaphore_mem>>)
    %add3A_29 = arith.constant 16 : i32
    %add3A_30 = arith.addi %add3A, %add3A_29 : i32
    %dma_start3A_31 = arith.constant 1 : i32
    %dma_start3A_32 = arith.constant 0 : i32
    %dma_start3A_33 = arith.constant 0 : i32
    %dma_start3A_34 = tpu.memref_slice %arg4[%dma_start3A_31, %dma_start3A_32, %dma_start3A_33] : memref<2x1x128xi32, #tpu.memory_space<vmem>> -> memref<1x1x128xi32, #tpu.memory_space<vmem>>
    %dma_start3A_35 = tpu.memref_squeeze %dma_start3A_34 : memref<1x1x128xi32, #tpu.memory_space<vmem>> -> memref<1x128xi32, #tpu.memory_space<vmem>>
    %dma_start3A_36 = arith.constant 0 : i32
    %dma_start3A_37 = tpu.memref_slice %arg2[%add3A_30, %dma_start3A_36] : memref<2560x128xi32, #tpu.memory_space<hbm>> -> memref<1x128xi32, #tpu.memory_space<hbm>>
    %dma_start3A_38 = arith.constant 0 : i32
    %dma_start3A_39 = arith.constant 0 : i32
    %dma_start3A_40 = tpu.memref_slice %arg4[%dma_start3A_31, %dma_start3A_38, %dma_start3A_39] : memref<2x1x128xi32, #tpu.memory_space<vmem>> -> memref<1x1x128xi32, #tpu.memory_space<vmem>>
    %dma_start3A_41 = tpu.memref_squeeze %dma_start3A_40 : memref<1x1x128xi32, #tpu.memory_space<vmem>> -> memref<1x128xi32, #tpu.memory_space<vmem>>
    %dma_start3A_42 = arith.constant 0 : i32
    %dma_start3A_43 = tpu.memref_slice %arg2[%add3A_30, %dma_start3A_42] : memref<2560x128xi32, #tpu.memory_space<hbm>> -> memref<1x128xi32, #tpu.memory_space<hbm>>
    tpu.enqueue_dma source(%dma_start3A_43 : memref<1x128xi32, #tpu.memory_space<hbm>>) target(%dma_start3A_41 : memref<1x128xi32, #tpu.memory_space<vmem>>) target_semaphore(%arg9 : memref<!tpu.dma_semaphore, #tpu.memory_space<semaphore_mem>>)
    %scan3A_44 = arith.constant 0 : i32
    %scan3A_45 = arith.constant 40 : i32
    %scan3A_46 = arith.addi %scan3A_44, %scan3A_45 : i32
    %scan3A_47 = arith.constant 1 : i32
    scf.for %scan3A_54 = %scan3A_44 to %scan3A_46 step %scan3A_47  : i32 {
      %mul3A_55 = arith.constant 1 : i32
      %mul3A_56 = arith.muli %scan3A_54, %mul3A_55 : i32
      %add3A_57 = arith.constant 0 : i32
      %add3A_58 = arith.addi %add3A_57, %mul3A_56 : i32
      %mul3A_59 = arith.constant 2 : i32
      %mul3A_60 = arith.muli %mul3A_59, %add3A_58 : i32
      %add3A_61 = arith.constant 0 : i32
      %add3A_62 = arith.addi %mul3A_60, %add3A_61 : i32
      %mul3A_63 = arith.constant 16 : i32
      %mul3A_64 = arith.muli %add3A_62, %mul3A_63 : i32
      %add3A_65 = arith.addi %add3A, %mul3A_64 : i32
      %dma_wait3A = arith.constant 0 : i32
      %dma_wait3A_66 = arith.constant 0 : i32
      %dma_wait3A_67 = arith.constant 0 : i32
      %dma_wait3A_68 = tpu.memref_slice %arg4[%dma_wait3A, %dma_wait3A_66, %dma_wait3A_67] : memref<2x1x128xi32, #tpu.memory_space<vmem>> -> memref<1x1x128xi32, #tpu.memory_space<vmem>>
      %dma_wait3A_69 = tpu.memref_squeeze %dma_wait3A_68 : memref<1x1x128xi32, #tpu.memory_space<vmem>> -> memref<1x128xi32, #tpu.memory_space<vmem>>
      %dma_wait3A_70 = arith.constant 0 : i32
      %dma_wait3A_71 = tpu.memref_slice %arg2[%add3A_65, %dma_wait3A_70] : memref<2560x128xi32, #tpu.memory_space<hbm>> -> memref<1x128xi32, #tpu.memory_space<hbm>>
      %dma_wait3A_72 = arith.constant 0 : i32
      %dma_wait3A_73 = arith.constant 0 : i32
      %dma_wait3A_74 = tpu.memref_slice %arg4[%dma_wait3A, %dma_wait3A_72, %dma_wait3A_73] : memref<2x1x128xi32, #tpu.memory_space<vmem>> -> memref<1x1x128xi32, #tpu.memory_space<vmem>>
      %dma_wait3A_75 = tpu.memref_squeeze %dma_wait3A_74 : memref<1x1x128xi32, #tpu.memory_space<vmem>> -> memref<1x128xi32, #tpu.memory_space<vmem>>
      %dma_wait3A_76 = arith.constant 0 : i32
      %dma_wait3A_77 = tpu.memref_slice %arg2[%add3A_65, %dma_wait3A_76] : memref<2560x128xi32, #tpu.memory_space<hbm>> -> memref<1x128xi32, #tpu.memory_space<hbm>>
      tpu.wait_dma2 semaphore(%arg8 : memref<!tpu.dma_semaphore, #tpu.memory_space<semaphore_mem>>) src(%dma_wait3A_77 : memref<1x128xi32, #tpu.memory_space<hbm>>) dst(%dma_wait3A_75 : memref<1x128xi32, #tpu.memory_space<vmem>>)
      %run_scoped3A = arith.constant 0 : i32
      %run_scoped3A_78 = arith.constant 0 : i32
      "tpu.region"() ({
        %run_scoped3A_108 = tpu.sem_alloc : memref<!tpu.dma_semaphore, #tpu.memory_space<semaphore_mem>>
        %dma_start3A_109 = arith.constant 0 : i32
        %dma_start3A_110 = tpu.memref_slice %arg4[%run_scoped3A, %run_scoped3A_78, %dma_start3A_109] : memref<2x1x128xi32, #tpu.memory_space<vmem>> -> memref<1x1x128xi32, #tpu.memory_space<vmem>>
        %dma_start3A_111 = tpu.memref_squeeze %dma_start3A_110 : memref<1x1x128xi32, #tpu.memory_space<vmem>> -> memref<128xi32, #tpu.memory_space<vmem>>
        %dma_start3A_112 = arith.constant 0 : i32
        %dma_start3A_113 = tpu.memref_slice %arg7[%dma_start3A_112] : memref<10240xf32, #tpu.memory_space<vmem_shared>> -> memref<10240xf32, #tpu.memory_space<vmem_shared>>
        tpu.enqueue_indirect_dma source(%arg5 : memref<128xf32, #tpu.memory_space<vmem>>) target(%dma_start3A_113 : memref<10240xf32, #tpu.memory_space<vmem_shared>>) offsets(%dma_start3A_111 : memref<128xi32, #tpu.memory_space<vmem>>) semaphore(%run_scoped3A_108 : memref<!tpu.dma_semaphore, #tpu.memory_space<semaphore_mem>>) {add = true}
        %dma_wait3A_114 = arith.constant 0 : i32
        %dma_wait3A_115 = tpu.memref_slice %arg4[%run_scoped3A, %run_scoped3A_78, %dma_wait3A_114] : memref<2x1x128xi32, #tpu.memory_space<vmem>> -> memref<1x1x128xi32, #tpu.memory_space<vmem>>
        %dma_wait3A_116 = tpu.memref_squeeze %dma_wait3A_115 : memref<1x1x128xi32, #tpu.memory_space<vmem>> -> memref<128xi32, #tpu.memory_space<vmem>>
        %dma_wait3A_117 = arith.constant 0 : i32
        %dma_wait3A_118 = tpu.memref_slice %arg7[%dma_wait3A_117] : memref<10240xf32, #tpu.memory_space<vmem_shared>> -> memref<10240xf32, #tpu.memory_space<vmem_shared>>
        tpu.wait_indirect_dma semaphore(%run_scoped3A_108 : memref<!tpu.dma_semaphore, #tpu.memory_space<semaphore_mem>>) src(%arg5 : memref<128xf32, #tpu.memory_space<vmem>>) dst(%dma_wait3A_118 : memref<10240xf32, #tpu.memory_space<vmem_shared>>)
        tpu.yield
      }) : () -> ()
      %lt3A = arith.constant 39 : i32
      %lt3A_79 = arith.cmpi slt, %add3A_58, %lt3A : i32
      %convert_element_type3A = arith.extui %lt3A_79 : i1 to i32
      %cond3A = arith.constant 0 : i32
      %cond3A_80 = arith.cmpi ne, %convert_element_type3A, %cond3A : i32
      scf.if %cond3A_80 {
        %add3A_108 = arith.constant 32 : i32
        %add3A_109 = arith.addi %add3A_65, %add3A_108 : i32
        %dma_start3A_110 = arith.constant 0 : i32
        %dma_start3A_111 = arith.constant 0 : i32
        %dma_start3A_112 = arith.constant 0 : i32
        %dma_start3A_113 = tpu.memref_slice %arg4[%dma_start3A_110, %dma_start3A_111, %dma_start3A_112] : memref<2x1x128xi32, #tpu.memory_space<vmem>> -> memref<1x1x128xi32, #tpu.memory_space<vmem>>
        %dma_start3A_114 = tpu.memref_squeeze %dma_start3A_113 : memref<1x1x128xi32, #tpu.memory_space<vmem>> -> memref<1x128xi32, #tpu.memory_space<vmem>>
        %dma_start3A_115 = arith.constant 0 : i32
        %dma_start3A_116 = tpu.memref_slice %arg2[%add3A_109, %dma_start3A_115] : memref<2560x128xi32, #tpu.memory_space<hbm>> -> memref<1x128xi32, #tpu.memory_space<hbm>>
        %dma_start3A_117 = arith.constant 0 : i32
        %dma_start3A_118 = arith.constant 0 : i32
        %dma_start3A_119 = tpu.memref_slice %arg4[%dma_start3A_110, %dma_start3A_117, %dma_start3A_118] : memref<2x1x128xi32, #tpu.memory_space<vmem>> -> memref<1x1x128xi32, #tpu.memory_space<vmem>>
        %dma_start3A_120 = tpu.memref_squeeze %dma_start3A_119 : memref<1x1x128xi32, #tpu.memory_space<vmem>> -> memref<1x128xi32, #tpu.memory_space<vmem>>
        %dma_start3A_121 = arith.constant 0 : i32
        %dma_start3A_122 = tpu.memref_slice %arg2[%add3A_109, %dma_start3A_121] : memref<2560x128xi32, #tpu.memory_space<hbm>> -> memref<1x128xi32, #tpu.memory_space<hbm>>
        tpu.enqueue_dma source(%dma_start3A_122 : memref<1x128xi32, #tpu.memory_space<hbm>>) target(%dma_start3A_120 : memref<1x128xi32, #tpu.memory_space<vmem>>) target_semaphore(%arg8 : memref<!tpu.dma_semaphore, #tpu.memory_space<semaphore_mem>>)
      } else {
      }
      %mul3A_81 = arith.constant 2 : i32
      %mul3A_82 = arith.muli %mul3A_81, %add3A_58 : i32
      %add3A_83 = arith.constant 1 : i32
      %add3A_84 = arith.addi %mul3A_82, %add3A_83 : i32
      %mul3A_85 = arith.constant 16 : i32
      %mul3A_86 = arith.muli %add3A_84, %mul3A_85 : i32
      %add3A_87 = arith.addi %add3A, %mul3A_86 : i32
      %dma_wait3A_88 = arith.constant 1 : i32
      %dma_wait3A_89 = arith.constant 0 : i32
      %dma_wait3A_90 = arith.constant 0 : i32
      %dma_wait3A_91 = tpu.memref_slice %arg4[%dma_wait3A_88, %dma_wait3A_89, %dma_wait3A_90] : memref<2x1x128xi32, #tpu.memory_space<vmem>> -> memref<1x1x128xi32, #tpu.memory_space<vmem>>
      %dma_wait3A_92 = tpu.memref_squeeze %dma_wait3A_91 : memref<1x1x128xi32, #tpu.memory_space<vmem>> -> memref<1x128xi32, #tpu.memory_space<vmem>>
      %dma_wait3A_93 = arith.constant 0 : i32
      %dma_wait3A_94 = tpu.memref_slice %arg2[%add3A_87, %dma_wait3A_93] : memref<2560x128xi32, #tpu.memory_space<hbm>> -> memref<1x128xi32, #tpu.memory_space<hbm>>
      %dma_wait3A_95 = arith.constant 0 : i32
      %dma_wait3A_96 = arith.constant 0 : i32
      %dma_wait3A_97 = tpu.memref_slice %arg4[%dma_wait3A_88, %dma_wait3A_95, %dma_wait3A_96] : memref<2x1x128xi32, #tpu.memory_space<vmem>> -> memref<1x1x128xi32, #tpu.memory_space<vmem>>
      %dma_wait3A_98 = tpu.memref_squeeze %dma_wait3A_97 : memref<1x1x128xi32, #tpu.memory_space<vmem>> -> memref<1x128xi32, #tpu.memory_space<vmem>>
      %dma_wait3A_99 = arith.constant 0 : i32
      %dma_wait3A_100 = tpu.memref_slice %arg2[%add3A_87, %dma_wait3A_99] : memref<2560x128xi32, #tpu.memory_space<hbm>> -> memref<1x128xi32, #tpu.memory_space<hbm>>
      tpu.wait_dma2 semaphore(%arg9 : memref<!tpu.dma_semaphore, #tpu.memory_space<semaphore_mem>>) src(%dma_wait3A_100 : memref<1x128xi32, #tpu.memory_space<hbm>>) dst(%dma_wait3A_98 : memref<1x128xi32, #tpu.memory_space<vmem>>)
      %run_scoped3A_101 = arith.constant 1 : i32
      %run_scoped3A_102 = arith.constant 0 : i32
      "tpu.region"() ({
        %run_scoped3A_108 = tpu.sem_alloc : memref<!tpu.dma_semaphore, #tpu.memory_space<semaphore_mem>>
        %dma_start3A_109 = arith.constant 0 : i32
        %dma_start3A_110 = tpu.memref_slice %arg4[%run_scoped3A_101, %run_scoped3A_102, %dma_start3A_109] : memref<2x1x128xi32, #tpu.memory_space<vmem>> -> memref<1x1x128xi32, #tpu.memory_space<vmem>>
        %dma_start3A_111 = tpu.memref_squeeze %dma_start3A_110 : memref<1x1x128xi32, #tpu.memory_space<vmem>> -> memref<128xi32, #tpu.memory_space<vmem>>
        %dma_start3A_112 = arith.constant 0 : i32
        %dma_start3A_113 = tpu.memref_slice %arg7[%dma_start3A_112] : memref<10240xf32, #tpu.memory_space<vmem_shared>> -> memref<10240xf32, #tpu.memory_space<vmem_shared>>
        tpu.enqueue_indirect_dma source(%arg5 : memref<128xf32, #tpu.memory_space<vmem>>) target(%dma_start3A_113 : memref<10240xf32, #tpu.memory_space<vmem_shared>>) offsets(%dma_start3A_111 : memref<128xi32, #tpu.memory_space<vmem>>) semaphore(%run_scoped3A_108 : memref<!tpu.dma_semaphore, #tpu.memory_space<semaphore_mem>>) {add = true}
        %dma_wait3A_114 = arith.constant 0 : i32
        %dma_wait3A_115 = tpu.memref_slice %arg4[%run_scoped3A_101, %run_scoped3A_102, %dma_wait3A_114] : memref<2x1x128xi32, #tpu.memory_space<vmem>> -> memref<1x1x128xi32, #tpu.memory_space<vmem>>
        %dma_wait3A_116 = tpu.memref_squeeze %dma_wait3A_115 : memref<1x1x128xi32, #tpu.memory_space<vmem>> -> memref<128xi32, #tpu.memory_space<vmem>>
        %dma_wait3A_117 = arith.constant 0 : i32
        %dma_wait3A_118 = tpu.memref_slice %arg7[%dma_wait3A_117] : memref<10240xf32, #tpu.memory_space<vmem_shared>> -> memref<10240xf32, #tpu.memory_space<vmem_shared>>
        tpu.wait_indirect_dma semaphore(%run_scoped3A_108 : memref<!tpu.dma_semaphore, #tpu.memory_space<semaphore_mem>>) src(%arg5 : memref<128xf32, #tpu.memory_space<vmem>>) dst(%dma_wait3A_118 : memref<10240xf32, #tpu.memory_space<vmem_shared>>)
        tpu.yield
      }) : () -> ()
      %lt3A_103 = arith.constant 39 : i32
      %lt3A_104 = arith.cmpi slt, %add3A_58, %lt3A_103 : i32
      %convert_element_type3A_105 = arith.extui %lt3A_104 : i1 to i32
      %cond3A_106 = arith.constant 0 : i32
      %cond3A_107 = arith.cmpi ne, %convert_element_type3A_105, %cond3A_106 : i32
      scf.if %cond3A_107 {
        %add3A_108 = arith.constant 32 : i32
        %add3A_109 = arith.addi %add3A_87, %add3A_108 : i32
        %dma_start3A_110 = arith.constant 1 : i32
        %dma_start3A_111 = arith.constant 0 : i32
        %dma_start3A_112 = arith.constant 0 : i32
        %dma_start3A_113 = tpu.memref_slice %arg4[%dma_start3A_110, %dma_start3A_111, %dma_start3A_112] : memref<2x1x128xi32, #tpu.memory_space<vmem>> -> memref<1x1x128xi32, #tpu.memory_space<vmem>>
        %dma_start3A_114 = tpu.memref_squeeze %dma_start3A_113 : memref<1x1x128xi32, #tpu.memory_space<vmem>> -> memref<1x128xi32, #tpu.memory_space<vmem>>
        %dma_start3A_115 = arith.constant 0 : i32
        %dma_start3A_116 = tpu.memref_slice %arg2[%add3A_109, %dma_start3A_115] : memref<2560x128xi32, #tpu.memory_space<hbm>> -> memref<1x128xi32, #tpu.memory_space<hbm>>
        %dma_start3A_117 = arith.constant 0 : i32
        %dma_start3A_118 = arith.constant 0 : i32
        %dma_start3A_119 = tpu.memref_slice %arg4[%dma_start3A_110, %dma_start3A_117, %dma_start3A_118] : memref<2x1x128xi32, #tpu.memory_space<vmem>> -> memref<1x1x128xi32, #tpu.memory_space<vmem>>
        %dma_start3A_120 = tpu.memref_squeeze %dma_start3A_119 : memref<1x1x128xi32, #tpu.memory_space<vmem>> -> memref<1x128xi32, #tpu.memory_space<vmem>>
        %dma_start3A_121 = arith.constant 0 : i32
        %dma_start3A_122 = tpu.memref_slice %arg2[%add3A_109, %dma_start3A_121] : memref<2560x128xi32, #tpu.memory_space<hbm>> -> memref<1x128xi32, #tpu.memory_space<hbm>>
        tpu.enqueue_dma source(%dma_start3A_122 : memref<1x128xi32, #tpu.memory_space<hbm>>) target(%dma_start3A_120 : memref<1x128xi32, #tpu.memory_space<vmem>>) target_semaphore(%arg9 : memref<!tpu.dma_semaphore, #tpu.memory_space<semaphore_mem>>)
      } else {
      }
    }
    %scan3A_48 = arith.constant 40 : i32
    %barrier3A_49 = arith.constant 0 : index
    tpu.barrier barrier_id(%barrier3A_49)
    %mul3A_50 = arith.constant 640 : i32
    %mul3A_51 = arith.muli %arg1, %mul3A_50 : i32
    %mul3A_52 = arith.constant 640 : i32
    %mul3A_53 = arith.muli %arg1, %mul3A_52 : i32
    "tpu.region"() ({
      %run_scoped3A = tpu.sem_alloc : memref<!tpu.dma_semaphore, #tpu.memory_space<semaphore_mem>>
      %dma_start3A_54 = tpu.memref_slice %arg3[%arg0, %mul3A_53] : memref<2x10240xf32, #tpu.memory_space<hbm>> -> memref<1x640xf32, #tpu.memory_space<hbm>>
      %dma_start3A_55 = tpu.memref_squeeze %dma_start3A_54 : memref<1x640xf32, #tpu.memory_space<hbm>> -> memref<640xf32, #tpu.memory_space<hbm>>
      %dma_start3A_56 = tpu.memref_slice %arg7[%mul3A_51] : memref<10240xf32, #tpu.memory_space<vmem_shared>> -> memref<640xf32, #tpu.memory_space<vmem_shared>>
      tpu.enqueue_dma source(%dma_start3A_56 : memref<640xf32, #tpu.memory_space<vmem_shared>>) target(%dma_start3A_55 : memref<640xf32, #tpu.memory_space<hbm>>) target_semaphore(%run_scoped3A : memref<!tpu.dma_semaphore, #tpu.memory_space<semaphore_mem>>)
      %dma_wait3A = tpu.memref_slice %arg3[%arg0, %mul3A_53] : memref<2x10240xf32, #tpu.memory_space<hbm>> -> memref<1x640xf32, #tpu.memory_space<hbm>>
      %dma_wait3A_57 = tpu.memref_squeeze %dma_wait3A : memref<1x640xf32, #tpu.memory_space<hbm>> -> memref<640xf32, #tpu.memory_space<hbm>>
      %dma_wait3A_58 = tpu.memref_slice %arg7[%mul3A_51] : memref<10240xf32, #tpu.memory_space<vmem_shared>> -> memref<640xf32, #tpu.memory_space<vmem_shared>>
      tpu.wait_dma2 semaphore(%run_scoped3A : memref<!tpu.dma_semaphore, #tpu.memory_space<semaphore_mem>>) src(%dma_wait3A_58 : memref<640xf32, #tpu.memory_space<vmem_shared>>) dst(%dma_wait3A_57 : memref<640xf32, #tpu.memory_space<hbm>>)
      tpu.yield
    }) : () -> ()
    return
  }
}

module attributes {stable_mosaic.version = 14 : i64} {
  func.func @body(%arg0: i32, %arg1: memref<1000x128xf32, #tpu.memory_space<vmem>>, %arg2: memref<128x128xf32, #tpu.memory_space<vmem>>, %arg3: memref<128xf32, #tpu.memory_space<vmem>>, %arg4: memref<128xf32, #tpu.memory_space<vmem>>, %arg5: memref<1000x128xf32, #tpu.memory_space<vmem>>) attributes {dimension_semantics = [#tpu.dimension_semantics<arbitrary>], iteration_bounds = array<i64: 10>, scalar_prefetch = 0 : i64, scratch_operands = 0 : i64, tpu.core_type = #tpu.core_type<tc>, window_params = [{transform_indices = @transform_0, window_bounds = array<i64: 1000, 128>}, {pipeline_mode = #tpu.pipeline_mode<synchronous>, transform_indices = @transform_1, window_bounds = array<i64: 128, 128>}, {pipeline_mode = #tpu.pipeline_mode<synchronous>, transform_indices = @transform_2, window_bounds = array<i64: 128>}, {pipeline_mode = #tpu.pipeline_mode<synchronous>, transform_indices = @transform_3, window_bounds = array<i64: 128>}, {transform_indices = @transform_4, window_bounds = array<i64: 1000, 128>}]} {
    %get3A = arith.constant 0 : index
    %get3A_0 = arith.constant 0 : index
    %get3A_1 = vector.load %arg1[%get3A, %get3A_0] : memref<1000x128xf32, #tpu.memory_space<vmem>>, vector<1000x128xf32>
    %reduce_sum3A = arith.constant dense<0.000000e+00> : vector<1000xf32>
    %reduce_sum3A_2 = vector.multi_reduction <add>, %get3A_1, %reduce_sum3A [1] : vector<1000x128xf32> to vector<1000xf32>
    %broadcast_in_dim3A = vector.shape_cast %reduce_sum3A_2 : vector<1000xf32> to vector<1000x1xf32>
    %div3A = arith.constant 1.280000e+02 : f32
    %div3A_3 = vector.broadcast %div3A : f32 to vector<1000x1xf32>
    %div3A_4 = arith.divf %broadcast_in_dim3A, %div3A_3 : vector<1000x1xf32>
    %sub3A = vector.broadcast %div3A_4 : vector<1000x1xf32> to vector<1000x128xf32>
    %sub3A_5 = arith.subf %get3A_1, %sub3A : vector<1000x128xf32>
    %integer_pow3A = arith.mulf %sub3A_5, %sub3A_5 : vector<1000x128xf32>
    %reduce_sum3A_6 = arith.constant dense<0.000000e+00> : vector<1000xf32>
    %reduce_sum3A_7 = vector.multi_reduction <add>, %integer_pow3A, %reduce_sum3A_6 [1] : vector<1000x128xf32> to vector<1000xf32>
    %broadcast_in_dim3A_8 = vector.shape_cast %reduce_sum3A_7 : vector<1000xf32> to vector<1000x1xf32>
    %div3A_9 = arith.constant 1.280000e+02 : f32
    %div3A_10 = vector.broadcast %div3A_9 : f32 to vector<1000x1xf32>
    %div3A_11 = arith.divf %broadcast_in_dim3A_8, %div3A_10 : vector<1000x1xf32>
    %sub3A_12 = vector.broadcast %div3A_4 : vector<1000x1xf32> to vector<1000x128xf32>
    %sub3A_13 = arith.subf %get3A_1, %sub3A_12 : vector<1000x128xf32>
    %add3A = arith.constant 9.99999974E-6 : f32
    %add3A_14 = vector.broadcast %add3A : f32 to vector<1000x1xf32>
    %add3A_15 = arith.addf %div3A_11, %add3A_14 : vector<1000x1xf32>
    %rsqrt3A = math.rsqrt %add3A_15 : vector<1000x1xf32>
    %mul3A = vector.broadcast %rsqrt3A : vector<1000x1xf32> to vector<1000x128xf32>
    %mul3A_16 = arith.mulf %sub3A_13, %mul3A : vector<1000x128xf32>
    %get3A_17 = arith.constant 0 : index
    %get3A_18 = vector.load %arg3[%get3A_17] : memref<128xf32, #tpu.memory_space<vmem>>, vector<128xf32>
    %broadcast_in_dim3A_19 = vector.shape_cast %get3A_18 : vector<128xf32> to vector<1x128xf32>
    %mul3A_20 = vector.broadcast %broadcast_in_dim3A_19 : vector<1x128xf32> to vector<1000x128xf32>
    %mul3A_21 = arith.mulf %mul3A_16, %mul3A_20 : vector<1000x128xf32>
    %get3A_22 = arith.constant 0 : index
    %get3A_23 = vector.load %arg4[%get3A_22] : memref<128xf32, #tpu.memory_space<vmem>>, vector<128xf32>
    %broadcast_in_dim3A_24 = vector.shape_cast %get3A_23 : vector<128xf32> to vector<1x128xf32>
    %add3A_25 = vector.broadcast %broadcast_in_dim3A_24 : vector<1x128xf32> to vector<1000x128xf32>
    %add3A_26 = arith.addf %mul3A_21, %add3A_25 : vector<1000x128xf32>
    %get3A_27 = arith.constant 0 : index
    %get3A_28 = arith.constant 0 : index
    %get3A_29 = vector.load %arg2[%get3A_27, %get3A_28] : memref<128x128xf32, #tpu.memory_space<vmem>>, vector<128x128xf32>
    %dot_general3A = arith.constant dense<0.000000e+00> : vector<1000x128xf32>
    %dot_general3A_30 = tpu.matmul %add3A_26, %get3A_29, %dot_general3A {dimension_numbers = #tpu.dot_dimension_numbers<[1], [0], [0], [1], [0, 0, 1, 1], [], []>, transpose_lhs_hint = false} : vector<1000x128xf32>, vector<128x128xf32>, vector<1000x128xf32> -> vector<1000x128xf32>
    %swap3A = arith.constant 0 : index
    %swap3A_31 = arith.constant 0 : index
    %swap3A_32 = vector.load %arg5[%swap3A, %swap3A_31] : memref<1000x128xf32, #tpu.memory_space<vmem>>, vector<1000x128xf32>
    tpu.vector_store %arg5[%swap3A, %swap3A_31], %dot_general3A_30 {strides = array<i32>} : memref<1000x128xf32, #tpu.memory_space<vmem>>, vector<1000x128xf32>,
    return
  }
  func.func @transform_0(%arg0: i32) -> (i32, i32) {
    %c0_i32 = arith.constant 0 : i32
    %c0_i32_0 = arith.constant 0 : i32
    return %arg0, %c0_i32 : i32, i32
  }
  func.func @transform_1(%arg0: i32) -> (i32, i32) {
    %c0_i32 = arith.constant 0 : i32
    %c0_i32_0 = arith.constant 0 : i32
    %c0_i32_1 = arith.constant 0 : i32
    return %c0_i32, %c0_i32_0 : i32, i32
  }
  func.func @transform_2(%arg0: i32) -> i32 {
    %c0_i32 = arith.constant 0 : i32
    %c0_i32_0 = arith.constant 0 : i32
    return %c0_i32 : i32
  }
  func.func @transform_3(%arg0: i32) -> i32 {
    %c0_i32 = arith.constant 0 : i32
    %c0_i32_0 = arith.constant 0 : i32
    return %c0_i32 : i32
  }
  func.func @transform_4(%arg0: i32) -> (i32, i32) {
    %c0_i32 = arith.constant 0 : i32
    %c0_i32_0 = arith.constant 0 : i32
    return %arg0, %c0_i32 : i32, i32
  }
}

module attributes {stable_mosaic.version = 14 : i64} {
  func.func @body(%arg0: i32, %arg1: memref<1000x128xf32, #tpu.memory_space<vmem>>, %arg2: memref<1000x2xf32, #tpu.memory_space<vmem>>, %arg3: memref<1000x128xf32, #tpu.memory_space<vmem>>) attributes {dimension_semantics = [#tpu.dimension_semantics<arbitrary>], iteration_bounds = array<i64: 10>, scalar_prefetch = 0 : i64, scratch_operands = 0 : i64, tpu.core_type = #tpu.core_type<tc>, window_params = [{transform_indices = @transform_0, window_bounds = array<i64: 1000, 128>}, {transform_indices = @transform_1, window_bounds = array<i64: 1000, 2>}, {transform_indices = @transform_2, window_bounds = array<i64: 1000, 128>}]} {
    %get3A = arith.constant 0 : index
    %get3A_0 = arith.constant 0 : index
    %get3A_1 = vector.load %arg2[%get3A, %get3A_0] : memref<1000x2xf32, #tpu.memory_space<vmem>>, vector<1000x1xf32>
    %get3A_2 = arith.constant 0 : index
    %get3A_3 = arith.constant 1 : index
    %get3A_4 = vector.load %arg2[%get3A_2, %get3A_3] : memref<1000x2xf32, #tpu.memory_space<vmem>>, vector<1000x1xf32>
    %add3A = arith.addf %get3A_1, %get3A_4 : vector<1000x1xf32>
    %add3A_5 = arith.constant 1.000000e+00 : f32
    %add3A_6 = vector.broadcast %add3A_5 : f32 to vector<1000x1xf32>
    %add3A_7 = arith.addf %add3A, %add3A_6 : vector<1000x1xf32>
    %rsqrt3A = math.rsqrt %add3A_7 : vector<1000x1xf32>
    %get3A_8 = arith.constant 0 : index
    %get3A_9 = arith.constant 0 : index
    %get3A_10 = vector.load %arg1[%get3A_8, %get3A_9] : memref<1000x128xf32, #tpu.memory_space<vmem>>, vector<1000x128xf32>
    %mul3A = vector.broadcast %rsqrt3A : vector<1000x1xf32> to vector<1000x128xf32>
    %mul3A_11 = arith.mulf %get3A_10, %mul3A : vector<1000x128xf32>
    %swap3A = arith.constant 0 : index
    %swap3A_12 = arith.constant 0 : index
    %swap3A_13 = vector.load %arg3[%swap3A, %swap3A_12] : memref<1000x128xf32, #tpu.memory_space<vmem>>, vector<1000x128xf32>
    tpu.vector_store %arg3[%swap3A, %swap3A_12], %mul3A_11 {strides = array<i32>} : memref<1000x128xf32, #tpu.memory_space<vmem>>, vector<1000x128xf32>,
    return
  }
  func.func @transform_0(%arg0: i32) -> (i32, i32) {
    %c0_i32 = arith.constant 0 : i32
    %c0_i32_0 = arith.constant 0 : i32
    return %arg0, %c0_i32 : i32, i32
  }
  func.func @transform_1(%arg0: i32) -> (i32, i32) {
    %c0_i32 = arith.constant 0 : i32
    %c0_i32_0 = arith.constant 0 : i32
    return %arg0, %c0_i32 : i32, i32
  }
  func.func @transform_2(%arg0: i32) -> (i32, i32) {
    %c0_i32 = arith.constant 0 : i32
    %c0_i32_0 = arith.constant 0 : i32
    return %arg0, %c0_i32 : i32, i32
  }
}

module attributes {stable_mosaic.version = 14 : i64} {
  func.func @body(%arg0: i32, %arg1: memref<1000x128xf32, #tpu.memory_space<vmem>>, %arg2: memref<2x1000x128xf32, #tpu.memory_space<vmem>>, %arg3: memref<1000x128xf32, #tpu.memory_space<vmem>>, %arg4: memref<1000x2xf32, #tpu.memory_space<vmem>>, %arg5: memref<128xf32, #tpu.memory_space<vmem>>, %arg6: memref<128xf32, #tpu.memory_space<vmem>>, %arg7: memref<128xf32, #tpu.memory_space<vmem>>, %arg8: memref<1000x128xf32, #tpu.memory_space<vmem>>) attributes {dimension_semantics = [#tpu.dimension_semantics<arbitrary>], iteration_bounds = array<i64: 10>, scalar_prefetch = 0 : i64, scratch_operands = 0 : i64, tpu.core_type = #tpu.core_type<tc>, window_params = [{transform_indices = @transform_0, window_bounds = array<i64: 1000, 128>}, {transform_indices = @transform_1, window_bounds = array<i64: 2, 1000, 128>}, {transform_indices = @transform_2, window_bounds = array<i64: 1000, 128>}, {transform_indices = @transform_3, window_bounds = array<i64: 1000, 2>}, {pipeline_mode = #tpu.pipeline_mode<synchronous>, transform_indices = @transform_4, window_bounds = array<i64: 128>}, {pipeline_mode = #tpu.pipeline_mode<synchronous>, transform_indices = @transform_5, window_bounds = array<i64: 128>}, {pipeline_mode = #tpu.pipeline_mode<synchronous>, transform_indices = @transform_6, window_bounds = array<i64: 128>}, {transform_indices = @transform_7, window_bounds = array<i64: 1000, 128>}]} {
    %get3A = arith.constant 0 : index
    %get3A_0 = arith.constant 0 : index
    %get3A_1 = vector.load %arg4[%get3A, %get3A_0] : memref<1000x2xf32, #tpu.memory_space<vmem>>, vector<1000x1xf32>
    %get3A_2 = arith.constant 0 : index
    %get3A_3 = arith.constant 1 : index
    %get3A_4 = vector.load %arg4[%get3A_2, %get3A_3] : memref<1000x2xf32, #tpu.memory_space<vmem>>, vector<1000x1xf32>
    %add3A = arith.addf %get3A_1, %get3A_4 : vector<1000x1xf32>
    %add3A_5 = arith.constant 1.000000e+00 : f32
    %add3A_6 = vector.broadcast %add3A_5 : f32 to vector<1000x1xf32>
    %add3A_7 = arith.addf %add3A, %add3A_6 : vector<1000x1xf32>
    %rsqrt3A = math.rsqrt %add3A_7 : vector<1000x1xf32>
    %get3A_8 = arith.constant 0 : index
    %get3A_9 = arith.constant 0 : index
    %get3A_10 = arith.constant 0 : index
    %get3A_11 = vector.load %arg2[%get3A_8, %get3A_9, %get3A_10] : memref<2x1000x128xf32, #tpu.memory_space<vmem>>, vector<1x1000x128xf32>
    %get3A_12 = vector.shape_cast %get3A_11 : vector<1x1000x128xf32> to vector<1000x128xf32>
    %get3A_13 = arith.constant 1 : index
    %get3A_14 = arith.constant 0 : index
    %get3A_15 = arith.constant 0 : index
    %get3A_16 = vector.load %arg2[%get3A_13, %get3A_14, %get3A_15] : memref<2x1000x128xf32, #tpu.memory_space<vmem>>, vector<1x1000x128xf32>
    %get3A_17 = vector.shape_cast %get3A_16 : vector<1x1000x128xf32> to vector<1000x128xf32>
    %add3A_18 = arith.addf %get3A_12, %get3A_17 : vector<1000x128xf32>
    %get3A_19 = arith.constant 0 : index
    %get3A_20 = arith.constant 0 : index
    %get3A_21 = vector.load %arg3[%get3A_19, %get3A_20] : memref<1000x128xf32, #tpu.memory_space<vmem>>, vector<1000x128xf32>
    %add3A_22 = arith.addf %add3A_18, %get3A_21 : vector<1000x128xf32>
    %mul3A = vector.broadcast %rsqrt3A : vector<1000x1xf32> to vector<1000x128xf32>
    %mul3A_23 = arith.mulf %add3A_22, %mul3A : vector<1000x128xf32>
    %get3A_24 = arith.constant 0 : index
    %get3A_25 = vector.load %arg5[%get3A_24] : memref<128xf32, #tpu.memory_space<vmem>>, vector<128xf32>
    %broadcast_in_dim3A = vector.shape_cast %get3A_25 : vector<128xf32> to vector<1x128xf32>
    %add3A_26 = vector.broadcast %broadcast_in_dim3A : vector<1x128xf32> to vector<1000x128xf32>
    %add3A_27 = arith.addf %mul3A_23, %add3A_26 : vector<1000x128xf32>
    %get3A_28 = arith.constant 0 : index
    %get3A_29 = arith.constant 0 : index
    %get3A_30 = vector.load %arg1[%get3A_28, %get3A_29] : memref<1000x128xf32, #tpu.memory_space<vmem>>, vector<1000x128xf32>
    %add3A_31 = arith.addf %get3A_30, %add3A_27 : vector<1000x128xf32>
    %reduce_sum3A = arith.constant dense<0.000000e+00> : vector<1000xf32>
    %reduce_sum3A_32 = vector.multi_reduction <add>, %add3A_31, %reduce_sum3A [1] : vector<1000x128xf32> to vector<1000xf32>
    %broadcast_in_dim3A_33 = vector.shape_cast %reduce_sum3A_32 : vector<1000xf32> to vector<1000x1xf32>
    %div3A = arith.constant 1.280000e+02 : f32
    %div3A_34 = vector.broadcast %div3A : f32 to vector<1000x1xf32>
    %div3A_35 = arith.divf %broadcast_in_dim3A_33, %div3A_34 : vector<1000x1xf32>
    %sub3A = vector.broadcast %div3A_35 : vector<1000x1xf32> to vector<1000x128xf32>
    %sub3A_36 = arith.subf %add3A_31, %sub3A : vector<1000x128xf32>
    %integer_pow3A = arith.mulf %sub3A_36, %sub3A_36 : vector<1000x128xf32>
    %reduce_sum3A_37 = arith.constant dense<0.000000e+00> : vector<1000xf32>
    %reduce_sum3A_38 = vector.multi_reduction <add>, %integer_pow3A, %reduce_sum3A_37 [1] : vector<1000x128xf32> to vector<1000xf32>
    %broadcast_in_dim3A_39 = vector.shape_cast %reduce_sum3A_38 : vector<1000xf32> to vector<1000x1xf32>
    %div3A_40 = arith.constant 1.280000e+02 : f32
    %div3A_41 = vector.broadcast %div3A_40 : f32 to vector<1000x1xf32>
    %div3A_42 = arith.divf %broadcast_in_dim3A_39, %div3A_41 : vector<1000x1xf32>
    %sub3A_43 = vector.broadcast %div3A_35 : vector<1000x1xf32> to vector<1000x128xf32>
    %sub3A_44 = arith.subf %add3A_31, %sub3A_43 : vector<1000x128xf32>
    %add3A_45 = arith.constant 9.99999974E-6 : f32
    %add3A_46 = vector.broadcast %add3A_45 : f32 to vector<1000x1xf32>
    %add3A_47 = arith.addf %div3A_42, %add3A_46 : vector<1000x1xf32>
    %rsqrt3A_48 = math.rsqrt %add3A_47 : vector<1000x1xf32>
    %mul3A_49 = vector.broadcast %rsqrt3A_48 : vector<1000x1xf32> to vector<1000x128xf32>
    %mul3A_50 = arith.mulf %sub3A_44, %mul3A_49 : vector<1000x128xf32>
    %get3A_51 = arith.constant 0 : index
    %get3A_52 = vector.load %arg6[%get3A_51] : memref<128xf32, #tpu.memory_space<vmem>>, vector<128xf32>
    %broadcast_in_dim3A_53 = vector.shape_cast %get3A_52 : vector<128xf32> to vector<1x128xf32>
    %mul3A_54 = vector.broadcast %broadcast_in_dim3A_53 : vector<1x128xf32> to vector<1000x128xf32>
    %mul3A_55 = arith.mulf %mul3A_50, %mul3A_54 : vector<1000x128xf32>
    %get3A_56 = arith.constant 0 : index
    %get3A_57 = vector.load %arg7[%get3A_56] : memref<128xf32, #tpu.memory_space<vmem>>, vector<128xf32>
    %broadcast_in_dim3A_58 = vector.shape_cast %get3A_57 : vector<128xf32> to vector<1x128xf32>
    %add3A_59 = vector.broadcast %broadcast_in_dim3A_58 : vector<1x128xf32> to vector<1000x128xf32>
    %add3A_60 = arith.addf %mul3A_55, %add3A_59 : vector<1000x128xf32>
    %swap3A = arith.constant 0 : index
    %swap3A_61 = arith.constant 0 : index
    %swap3A_62 = vector.load %arg8[%swap3A, %swap3A_61] : memref<1000x128xf32, #tpu.memory_space<vmem>>, vector<1000x128xf32>
    tpu.vector_store %arg8[%swap3A, %swap3A_61], %add3A_60 {strides = array<i32>} : memref<1000x128xf32, #tpu.memory_space<vmem>>, vector<1000x128xf32>,
    return
  }
  func.func @transform_0(%arg0: i32) -> (i32, i32) {
    %c0_i32 = arith.constant 0 : i32
    %c0_i32_0 = arith.constant 0 : i32
    return %arg0, %c0_i32 : i32, i32
  }
  func.func @transform_1(%arg0: i32) -> (i32, i32, i32) {
    %c0_i32 = arith.constant 0 : i32
    %c0_i32_0 = arith.constant 0 : i32
    %c0_i32_1 = arith.constant 0 : i32
    return %c0_i32, %arg0, %c0_i32_0 : i32, i32, i32
  }
  func.func @transform_2(%arg0: i32) -> (i32, i32) {
    %c0_i32 = arith.constant 0 : i32
    %c0_i32_0 = arith.constant 0 : i32
    return %arg0, %c0_i32 : i32, i32
  }
  func.func @transform_3(%arg0: i32) -> (i32, i32) {
    %c0_i32 = arith.constant 0 : i32
    %c0_i32_0 = arith.constant 0 : i32
    return %arg0, %c0_i32 : i32, i32
  }
  func.func @transform_4(%arg0: i32) -> i32 {
    %c0_i32 = arith.constant 0 : i32
    %c0_i32_0 = arith.constant 0 : i32
    return %c0_i32 : i32
  }
  func.func @transform_5(%arg0: i32) -> i32 {
    %c0_i32 = arith.constant 0 : i32
    %c0_i32_0 = arith.constant 0 : i32
    return %c0_i32 : i32
  }
  func.func @transform_6(%arg0: i32) -> i32 {
    %c0_i32 = arith.constant 0 : i32
    %c0_i32_0 = arith.constant 0 : i32
    return %c0_i32 : i32
  }
  func.func @transform_7(%arg0: i32) -> (i32, i32) {
    %c0_i32 = arith.constant 0 : i32
    %c0_i32_0 = arith.constant 0 : i32
    return %arg0, %c0_i32 : i32, i32
  }
}

</mosaic_0001>

<sc_bundles>
// kernel: kernel.10.cloned.1.call-start
scs
__scs_entry_jumppad:
0x0: {  	(pc) =	sbr.rel $0x88, $3  }
0x1: {  	(tag) =	ssettag $0x0;
	lr =	simm.s32 $0x1  }
0x2: {  	[smem:$0x3F99] =	sst lr;
	_ =	strace $0xD0000000  }
0x3: {  	_ = 	snop  }
0x4: {  	_ = 	snop  }
0x5: {  	_ = 	snop  }
0x6: {  	_ = 	snop  }
0x7: {  	_ = 	snop  }
__scs_overlays_trampoline_lowered:
0x8: {  	[smem:$0x3FA8] =	sst s0  }
0x9: {  	[smem:$0x3FA9] =	sst s1  }
0xa: {  	[smem:$0x3FAA] =	sst s2  }
0xb: {  	[smem:$0x3FAB] =	sst s3  }
0xc: {  	[smem:$0x3FAC] =	sst s4  }
0xd: {  	[smem:$0x3FAD] =	sst s5  }
0xe: {  	[smem:$0x3FAE] =	sst s6  }
0xf: {  	[smem:$0x3FAF] =	sst s7  }
0x10: {  	[smem:$0x3FB0] =	sst s8  }
0x11: {  	[smem:$0x3FB1] =	sst s9;
	s0 =	simm.s32 @!p0 $0x0  }
0x12: {  	s1 =	sld [smem:$0x3F97];
	s0 =	simm.s32 @p0 $0x1  }
0x13: {  	[smem:$0x3FB2] =	sst s0;
	s0 =	simm.s32 @!p1 $0x0  }
0x14: {  	s2 =	sld [smem:$0x3F96];
	s0 =	simm.s32 @p1 $0x1  }
0x15: {  	[smem:$0x3FB3] =	sst s0;
	s0 =	simm.s32 @!p2 $0x0  }
0x16: {  	s3 =	sld [smem:$0x3FDB];
	s0 =	simm.s32 @p2 $0x1  }
0x17: {  	s4 =	simm.s32 $0x1BF5;
	[smem:$0x3FB5] =	sst s0  }
0x18: {  	s0 =	sld [smem:$0x3F98];
	_ =	swait.ge [sflag:s4], $0x0  }
0x19: {  	s7 =	sld [smem:$0x3F99]  }
0x1a: {  	s8 =	sadd.s32 $0xFFFFE003, lr  }
0x1b: {  	s9 =	sadd.s32 $0xFFFFFEF7, lr;
	s5 =	simm.s32 $0xFFFFFFFF;
	p2 =	slt.u32 s8, $0xFFFFF086  }
0x1c: {  	p1 =	slt.u32 s9, $0xF7A;
	s5 =	simm.s32 @!p2 $0x0  }
0x1d: {  	s5 =	simm.s32 @p1 $0x1;
	p0 =	seq.s32 s7, s2  }
0x1e: {  	s7 =	smul.u32 @!p0 $0xF7A, s2;
	p2 =	seq.s32 @!p0 s5, $0x0  }
0x1f: {  	s9 =	smul.u32 $0xF7A, s1;
	s8 =	simm.s32 @!p0 $0x1BF5;
	p2 =	por !p2, p0  }
0x20: {  	[sflag:s8] =	ssyncset.s32 @!p0 $0xFFFFF086;
	s6 =	sadd.s32 @!p0 s3, s7;
	s7 =	simm.s32 @!p0 $0x108  }
0x21: {  	s3 =	sadd.s32 s3, s9;
	s6 =	sadd.s32 @!p0 $0x88, s6;
	s7 =	simm.s32 @p2 $0x1082  }
0x22: {  	[simem:s7], [sflag:s8] =	dma.local @!p0 [hbm:s6], $0xF7A  }
0x23: {  	s9 =	sor.u32 $0xD0000000, s2;
	s6 =	simm.s32 $0x108;
	_ =	swait.ge @!p0 [sflag:s8], $0x0  }
0x24: {  	s3 =	sadd.s32 $0x88, s3;
	s6 =	simm.s32 @!p1 $0x1082;
	[sflag:s4] =	ssyncset.s32 $0xFFFFF086  }
0x25: {  	[simem:s6], [sflag:s4] =	dma.local [hbm:s3], $0xF7A  }
0x26: {  	[smem:$0x3F99] =	sst s1;
	(tag) =	ssettag s2;
	_ =	strace s9  }
0x27: {  	s1 =	sld [smem:$0x3FA9]  }
0x28: {  	s2 =	sld [smem:$0x3FAA]  }
0x29: {  	s4 =	sld [smem:$0x3FAC]  }
0x2a: {  	p0 =	seq.s32 s5, $0x0;
	s5 =	sld [smem:$0x3FAD]  }
0x2b: {  	s6 =	sld [smem:$0x3FAE]  }
0x2c: {  	s7 =	sld [smem:$0x3FAF]  }
0x2d: {  	s3 =	simm.s32 $0x108;
	s8 =	sld [smem:$0x3FB0]  }
0x2e: {  	s3 =	simm.s32 @!p0 $0x1082;
	s9 =	sld [smem:$0x3FB1]  }
0x2f: {  	lr =	sadd.s32 s0, s3;
	s0 =	sld [smem:$0x3FA8]  }
0x30: {  	s3 =	sld [smem:$0x3FAB]  }
0x31: {  	[smem:$0x3FB4] =	sst s10  }
0x32: {  	s10 =	sld [smem:$0x3FB2];
	_ =	sdelay $0x3  }
0x33: {  	p0 =	seq.s32 s10, $0x1;
	s10 =	sld [smem:$0x3FB4];
	_ =	sdelay $0x3  }
0x34: {  	[smem:$0x3FB4] =	sst s10  }
0x35: {  	s10 =	sld [smem:$0x3FB3];
	_ =	sdelay $0x3  }
0x36: {  	p1 =	seq.s32 s10, $0x1;
	s10 =	sld [smem:$0x3FB4];
	_ =	sdelay $0x3  }
0x37: {  	[smem:$0x3FB4] =	sst s10  }
0x38: {  	s10 =	sld [smem:$0x3FB5]  }
0x39: {  	_ = 	snop;
	(pc) =	sbr.ind lr, $3  }
0x3a: {  	_ = 	snop  }
0x3b: {  	_ = 	snop  }
0x3c: {  	p2 =	seq.s32 s10, $0x1;
	s10 =	sld [smem:$0x3FB4]  }
0x3d: {  	_ =	shalt  }
0x3e: {  	_ =	shalt  }
0x3f: {  	_ =	shalt  }
0x40: {  	_ =	shalt  }
0x41: {  	_ =	shalt  }
0x42: {  	_ =	shalt  }
0x43: {  	_ =	shalt  }
0x44: {  	_ =	shalt  }
0x45: {  	_ =	shalt  }
0x46: {  	_ =	shalt  }
0x47: {  	_ =	shalt  }
0x48: {  	_ =	shalt  }
0x49: {  	_ =	shalt  }
0x4a: {  	_ =	shalt  }
0x4b: {  	_ =	shalt  }
0x4c: {  	_ =	shalt  }
0x4d: {  	_ =	shalt  }
0x4e: {  	_ =	shalt  }
0x4f: {  	_ =	shalt  }
0x50: {  	_ =	shalt  }
0x51: {  	_ =	shalt  }
0x52: {  	_ =	shalt  }
0x53: {  	_ =	shalt  }
0x54: {  	_ =	shalt  }
0x55: {  	_ =	shalt  }
0x56: {  	_ =	shalt  }
0x57: {  	_ =	shalt  }
0x58: {  	_ =	shalt  }
0x59: {  	_ =	shalt  }
0x5a: {  	_ =	shalt  }
0x5b: {  	_ =	shalt  }
0x5c: {  	_ =	shalt  }
0x5d: {  	_ =	shalt  }
0x5e: {  	_ =	shalt  }
0x5f: {  	_ =	shalt  }
0x60: {  	_ =	shalt  }
0x61: {  	_ =	shalt  }
0x62: {  	_ =	shalt  }
0x63: {  	_ =	shalt  }
0x64: {  	_ =	shalt  }
0x65: {  	_ =	shalt  }
0x66: {  	_ =	shalt  }
0x67: {  	_ =	shalt  }
0x68: {  	_ =	shalt  }
0x69: {  	_ =	shalt  }
0x6a: {  	_ =	shalt  }
0x6b: {  	_ =	shalt  }
0x6c: {  	_ =	shalt  }
0x6d: {  	_ =	shalt  }
0x6e: {  	_ =	shalt  }
0x6f: {  	_ =	shalt  }
0x70: {  	_ =	shalt  }
0x71: {  	_ =	shalt  }
0x72: {  	_ =	shalt  }
0x73: {  	_ =	shalt  }
0x74: {  	_ =	shalt  }
0x75: {  	_ =	shalt  }
0x76: {  	_ =	shalt  }
0x77: {  	_ =	shalt  }
0x78: {  	_ =	shalt  }
0x79: {  	_ =	shalt  }
0x7a: {  	_ =	shalt  }
0x7b: {  	_ =	shalt  }
0x7c: {  	_ =	shalt  }
0x7d: {  	_ =	shalt  }
0x7e: {  	_ =	shalt  }
0x7f: {  	_ =	shalt  }
0x80: {  	_ =	shalt  }
0x81: {  	_ =	shalt  }
0x82: {  	_ =	shalt  }
0x83: {  	_ =	shalt  }
0x84: {  	_ =	shalt  }
0x85: {  	_ =	shalt  }
0x86: {  	_ =	shalt  }
0x87: {  	_ =	shalt  }
.Lfunc_end0:
.L_simem_size_0:
called_computation.1_lowered:
.L_overlay_start_0:
0x88: {  	s2 =	sld [smem:$0x3FD9]  }
0x89: {  	s3 =	sld [smem:$0x3FFE];
	_ =	sdelay $0x1  }
0x8a: {  	s1 =	srdreg.scid  }
0x8b: {  	s0 =	sand.u32 $0x1, s1  }
0x8c: {  	s17 =	sshll.u32 s0, $0xA;
	s2 =	sadd.s32 s3, s2  }
0x8d: {  	s2 =	sadd.s32 s2, s17  }
0x8e: {  	[smem:$0x3FC0] =	sst s2  }
0x8f: {  	_ = 	snop  }
0x90: {  	s2 =	sld [smem:$0x3FD0];
	(tm) =	ssettm $0x1  }
0x91: {  	s18 =	sld [smem:$0x3FFB];
	_ =	sdelay $0x3  }
0x92: {  	_ =	strace s18  }
0x93: {  	s3 =	sld [smem:$0x3FFC];
	_ =	sdelay $0x3  }
0x94: {  	_ =	strace s3  }
0x95: {  	s3 =	sld [smem:$0x3FFD];
	_ =	sdelay $0x3  }
0x96: {  	_ =	strace s3  }
0x97: {  	_ =	strace $0x8FFFFFFF  }
0x98: {  	s19 =	sld [smem:$0x3FDB];
	_ =	sdelay $0x1  }
0x99: {  	s4 =	simm.s32 $_scs_section_size  }
0x9a: {  	s5 =	simm.s32 $_size__tile_overlayer_lowered;
	s6 =	simm.s32 $_tile_overlayer_lowered  }
0x9b: {  	s22 =	simm.s32 $0x1BFF;
	s21 =	sshll.u32 s6, $0x1;
	s3 =	sadd.s32 s4, s19  }
0x9c: {  	s7 =	simm.s32 $0x0;
	s20 =	sshll.u32 s5, $0x1;
	s5 =	sadd.s32 s21, s3  }
0x9d: {  	[timem:s7], [sflag:s22] =	dma.local [hbm:s5], s20  }
0x9e: {  	_ =	swait.ge [sflag:s22], s20  }
0x9f: {  	s4 =	ssub.s32 $0x0, s20;
	[sflag:s22] =	ssyncset.done $0x0  }
0xa0: {  	[sflag:s22] =	ssyncadd.s32 s4;
	_ =	sdelay $0x1  }
0xa1: {  	s23 =	simm.s32 $0x1B8B  }
0xa2: {  	_ =	swait.ge [sflag:s23], $0x1  }
0xa3: {  	[sflag:s23] =	ssyncset.done $0x0  }
0xa4: {  	s25 =	simm.s32 $0x1B8E;
	s24 =	sld [smem:$0x3FFE];
	[sflag:s23] =	ssyncadd.s32 $0xFFFFFFFF  }
0xa5: {  	s26 =	simm.s32 $execute0_lowered;
	[smem:$0x3FD2] =	sst s25  }
0xa6: {  	s5 =	sshll.u32 s26, $0x1;
	_ =	strace $0x80000049;
	[dreg:$0x1] =	wrdreg $0xFFFFFFFF  }
0xa7: {  	s28 =	simm.s32 $_size_execute0_lowered;
	s3 =	sadd.s32 s3, s5;
	[dreg:$0x0] =	wrdreg $0x0  }
0xa8: {  	s5 =	sshll.u32 s28, $0x1;
	[dreg:$0x2] =	wrdreg s3  }
0xa9: {  	[dreg:$0x3] =	wrdreg s5  }
0xaa: {  	[dreg:$0x4] =	wrdreg $0xC0  }
0xab: {  	_ =	task [dreg:s7], $0x5FFFF  }
0xac: {  	[dreg:$0x1] =	wrdreg $0xFFFFFFFF  }
0xad: {  	[dreg:$0x0] =	wrdreg $0x60  }
0xae: {  	[dreg:$0x2] =	wrdreg s2  }
0xaf: {  	[dreg:$0x3] =	wrdreg s24  }
0xb0: {  	[dreg:$0x4] =	wrdreg $0x82000  }
0xb1: {  	[dreg:$0x5] =	wrdreg $0x9  }
0xb2: {  	_ =	task.clear_ibuf [dreg:s7], $0x6FFFF;
	_ =	strace $0x90000049  }
0xb3: {  	s29 =	simm.s32 $0x9;
	_ =	strace $0x8000004B  }
0xb4: {  	_ =	swait.ge [sflag:s29], $0x1  }
0xb5: {  	[sflag:s29] =	ssyncadd.s32 $0xFFFFFFFF  }
0xb6: {  	_ =	strace $0x9000004B  }
0xb7: {  	_ =	sfence  }
0xb8: {  	s30 =	sld [smem:$0x0];
	_ =	sdelay $0x2  }
0xb9: {  	s31 =	sshll.u32 s1, $0xD;
	s1 =	sshrl.u32 s1, $0x2  }
0xba: {  	s3 =	sand.u32 $0x4000, s31;
	s1 =	sadd.s32 s1, s30  }
0xbb: {  	s0 =	sor.u32 s3, s0;
	s1 =	sshll.u32 s1, $0x11  }
0xbc: {  	s0 =	sor.u32 s1, s0  }
0xbd: {  	s0 =	sadd.s32 $0x8F2B, s0  }
0xbe: {  	[sflag:s0] =	ssyncadd.remote.s32 $0x1  }
0xbf: {  	_ =	sfence.sel $0xFFFF  }
0xc0: {  	[dreg:$0x0] =	wrdreg $0xFFFFFFFF;
	(pc) =	sbr.abs _section_cstart, $3  }
0xc1: {  	[dreg:$0x1] =	wrdreg $0xFFFFFFFF  }
0xc2: {  	_ =	task.clear_ibuf [dreg:s7], $0x2FFFF;
	_ =	strace $0x9FFFFFFF  }
0xc3: {  	(tm) =	ssettm $0x7FFFFFFF  }
tec
execute0_lowered:
.L_overlay_start_1:
0x0: {  	(tag) =	ssettag $0x1  }
0x1: {  	s1 =	rddreg [dreg:$0x0]  }
0x2: {  	s0 =	rddreg [dreg:$0x1]  }
0x3: {  	s3 =	rddreg [dreg:$0x2];
	s4 =	simm.s32 $0x0;
	s2 =	srdreg.scid  }
0x4: {  	s30 =	stileid.u32;
	[smem:$0x7FF] =	sst s4  }
0x5: {  	s2 =	sand.u32 $0x1, s2;
	s7 =	smul.u32 $0x50000, s30;
	s5 =	sadd.s32 $0x1A00, s0  }
0x6: {  	s6 =	sadd.s32 $0xBA00, s0;
	s0 =	sadd.s32 $0x15A00, s0;
	s29 =	sshll.u32 s30, $0x4  }
0x7: {  	s10 =	smul.u32 $0x14000, s30;
	s12 =	sshll.u32 s30, $0x7;
	_ =	strace $0x8000004A  }
0x8: {  	s8 =	ssub.s32 $0x2, s2;
	p0 =	seq.s32 s2, $0x1;
	s11 =	sor.u32 $0x100, s29  }
0x9: {  	s2 =	smul.u32 $0x140000, s2;
	s13 =	sand.u32 $0x70, s29;
	s14 =	sor.u32 $0x3B000, s12  }
0xa: {  	s16 =	sand.u32 $0x380, s12;
	s12 =	sor.u32 $0x3B800, s12;
	s9 =	sshrl.u32 s8, $0x1  }
0xb: {  	s7 =	sshrl.u32 s7, $0x2;
	s15 =	sadd.s32 $0x4000, s10;
	s19 =	sadd.s32 $0x8000, s10  }
0xc: {  	s12 =	sand.u32 $0x3BC00, s12;
	s24 =	sand.u32 $0x3B400, s14;
	s25 =	sadd.s32 s5, s11  }
0xd: {  	s26 =	sshrl.u32 s14, $0x3;
	s14 =	sadd.s32 s6, s29;
	s8 =	ssub.s32 s8, s9  }
0xe: {  	s7 =	sadd.s32 s7, s3;
	s17 =	sadd.s32 s2, s10;
	s18 =	sadd.s32 s2, s15  }
0xf: {  	s20 =	sadd.s32 s2, s19;
	s12 =	sor.u32 s16, s12;
	[dreg:$0x9] =	wrdreg s25  }
0x10: {  	s9 =	sor.u32 $0x7700, s29;
	s28 =	sadd.s32 s5, s26;
	s19 =	sadd.s32 s19, s3  }
0x11: {  	[dreg:$0xc] =	wrdreg s14;
	s14 =	sadd.s32 $0x200, s14;
	s17 =	sshrl.u32 s17, $0x3  }
0x12: {  	s18 =	sshrl.u32 s18, $0x3;
	[dreg:$0xd] =	wrdreg s28;
	s8 =	smax.u32 s8, $0x1  }
0x13: {  	s31 =	sadd.s32 $0x4000, s7;
	s17 =	sadd.s32 s0, s17;
	[dreg:$0x11] =	wrdreg s8  }
0x14: {  	s18 =	sadd.s32 s0, s18;
	s8 =	simm.s32 $0x1;
	[dreg:$0x4] =	wrdreg s17  }
0x15: {  	[dreg:$0x5] =	wrdreg s18;
	s17 =	sshrl.u32 s20, $0x3;
	s18 =	sadd.s32 $0xC000, s10  }
0x16: {  	s10 =	sadd.s32 $0x10000, s10;
	s20 =	sand.u32 $0x180, s11;
	s11 =	sadd.s32 s6, s11  }
0x17: {  	s17 =	sadd.s32 s0, s17;
	s21 =	sadd.s32 s2, s18;
	s2 =	sadd.s32 s2, s10  }
0x18: {  	s22 =	sadd.s32 s20, s5;
	s23 =	sadd.s32 s20, s6;
	[dreg:$0xa] =	wrdreg s11  }
0x19: {  	s11 =	sadd.s32 s6, s26;
	s20 =	sadd.s32 s18, s3;
	s10 =	sadd.s32 s10, s3  }
0x1a: {  	s26 =	sshrl.u32 s19, $0x3;
	s18 =	simm.s32 $0x200;
	[dreg:$0x6] =	wrdreg s17  }
0x1b: {  	s19 =	simm.s32 $0x5;
	s17 =	sshrl.u32 s21, $0x3;
	[dreg:$0xe] =	wrdreg s11  }
0x1c: {  	s2 =	sshrl.u32 s2, $0x3;
	[dreg:$0x13] =	wrdreg s26;
	s28 =	sshrl.u32 s20, $0x3  }
0x1d: {  	s20 =	simm.s32 $0x100;
	s17 =	sadd.s32 s0, s17;
	[dreg:$0x14] =	wrdreg s28  }
0x1e: {  	s11 =	simm.s32 $0x4200;
	s0 =	sadd.s32 s0, s2;
	[dreg:$0x7] =	wrdreg s17  }
0x1f: {  	s2 =	sadd.s32 s13, s23;
	[dreg:$0x8] =	wrdreg s0;
	s0 =	sadd.s32 s13, s22  }
0x20: {  	s13 =	sor.u32 s16, s24;
	s16 =	sadd.s32 s5, s29;
	s29 =	sadd.s32 s5, s9  }
0x21: {  	s9 =	sadd.s32 s6, s9;
	s17 =	sadd.s32 s15, s3;
	s23 =	sadd.s32 $0x200, s2  }
0x22: {  	s24 =	sadd.s32 $0x1000, s12;
	s2 =	sadd.s32 $0xC000, s7;
	[dreg:$0xf] =	wrdreg s29  }
0x23: {  	s15 =	simm.s32 $0x80;
	s12 =	simm.s32 $0x4;
	[dreg:$0x10] =	wrdreg s9  }
.Ltmp0:
0x24: {  	s22 =	sadd.s32 $0x200, s0;
	s25 =	sadd.s32 $0x1000, s13;
	(pc) =	sbr.rel .LBB2_1-.Ltmp0, $4  }
0x25: {  	s21 =	sshrl.u32 s17, $0x3;
	s29 =	sshrl.u32 s10, $0x3;
	s0 =	sadd.s32 $0x8000, s7  }
0x26: {  	s13 =	sadd.s32 $0x10000, s7;
	[dreg:$0xb] =	wrdreg s16;
	s17 =	sadd.s32 $0x200, s16  }
0x27: {  	s16 =	simm.s32 $0x180;
	s9 =	simm.s32 $0x3;
	[dreg:$0x12] =	wrdreg s21  }
0x28: {  	v0 =	vimm.f32 $0.0e+00;
	s10 =	simm.s32 $0x2;
	[dreg:$0x15] =	wrdreg s29;
	s21 =	simm.s32 $0x0  }
.LBB2_6:
0x29: {  	[tilespmem:s16], [sflag:$0x2] =	stream.linear.gather [hbm4b:s28+s4], $0x80, $0x38;
	[tilespmem:$0x1C200] =	vst v63  }
.LBB2_10:
0x2a: {  	_ =	swait.ge [sflag:s9], $0x4000  }
0x2b: {  	[sflag:s9] =	ssyncset.done $0x0  }
0x2c: {  	[sflag:s9] =	ssyncadd.s32 $0xFFFFC000  }
0x2d: {  	_ =	swait.ge [sflag:s10], $0x80  }
0x2e: {  	[sflag:s10] =	ssyncset.done $0x0  }
0x2f: {  	[sflag:s10] =	ssyncadd.s32 $0xFFFFFF80  }
0x30: {  	_ =	swait.ge [sflag:s10], $0x80  }
0x31: {  	[sflag:s10] =	ssyncset.done $0x0  }
0x32: {  	[sflag:s10] =	ssyncadd.s32 $0xFFFFFF80  }
0x33: {  	[tilespmem:s11], [sflag:$0x4] =	stream.indirect.gather [hbm4b:s1+s15], $0x80, s15, s15, $0xb8;
	[tilespmem:$0x1C200] =	vst v63  }
0x34: {  	_ = 	snop  }
0x35: {  	[spmem:s3] =	stream.indirect.scatter.add.f32 [tilespmem:s18], [sflag:$0x5], $0x80, s20, s15, $0xb8;
	[tilespmem:$0x1C200] =	vst v63  }
0x36: {  	_ =	swait.ge [sflag:s19], $0x4000  }
0x37: {  	[sflag:s19] =	ssyncset.done $0x0  }
0x38: {  	[sflag:s19] =	ssyncadd.s32 $0xFFFFC000  }
0x39: {  	_ =	swait.ge [sflag:s12], $0x4000  }
0x3a: {  	[sflag:s12] =	ssyncset.done $0x0  }
0x3b: {  	[sflag:s12] =	ssyncadd.s32 $0xFFFFC000  }
0x3c: {  	[spmem:s3] =	stream.indirect.scatter.add.f32 [tilespmem:s11], [sflag:$0x5], $0x80, s16, s15, $0xb8;
	[tilespmem:$0x1C200] =	vst v63  }
0x3d: {  	_ =	swait.ge [sflag:s19], $0x4000  }
0x3e: {  	[sflag:s19] =	ssyncset.done $0x0  }
0x3f: {  	[sflag:s19] =	ssyncadd.s32 $0xFFFFC000  }
0x40: {  	s26 =	sshll.u32 s30, $0x6;
	[bflag:$0x0] =	sbarrier.arrive $0xFFFF  }
0x41: {  	s28 =	sshrl.u32 s7, $0x3;
	s26 =	sor.u32 $0x1C05, s26;
	s29 =	rddreg [dreg:$0x4]  }
0x42: {  	[hbm:s29], [sflag:s26] =	dma.local [spmem:s28], $0x800  }
0x43: {  	_ =	swait.ge [sflag:s19], $0x800  }
0x44: {  	[sflag:s19] =	ssyncset.done $0x0;
	s28 =	rddreg [dreg:$0x5]  }
0x45: {  	s29 =	rddreg [dreg:$0x12];
	[sflag:s19] =	ssyncadd.s32 $0xFFFFF800  }
0x46: {  	[hbm:s28], [sflag:s26] =	dma.local [spmem:s29], $0x800  }
0x47: {  	_ =	swait.ge [sflag:s19], $0x800  }
0x48: {  	[sflag:s19] =	ssyncset.done $0x0;
	s28 =	rddreg [dreg:$0x6]  }
0x49: {  	s29 =	rddreg [dreg:$0x13];
	[sflag:s19] =	ssyncadd.s32 $0xFFFFF800  }
0x4a: {  	[hbm:s28], [sflag:s26] =	dma.local [spmem:s29], $0x800  }
0x4b: {  	_ =	swait.ge [sflag:s19], $0x800  }
0x4c: {  	[sflag:s19] =	ssyncset.done $0x0;
	s28 =	rddreg [dreg:$0x7]  }
0x4d: {  	s29 =	rddreg [dreg:$0x14];
	[sflag:s19] =	ssyncadd.s32 $0xFFFFF800  }
0x4e: {  	[hbm:s28], [sflag:s26] =	dma.local [spmem:s29], $0x800  }
0x4f: {  	_ =	swait.ge [sflag:s19], $0x800  }
0x50: {  	[sflag:s19] =	ssyncset.done $0x0;
	s28 =	rddreg [dreg:$0x8]  }
0x51: {  	s29 =	rddreg [dreg:$0x15];
	[sflag:s19] =	ssyncadd.s32 $0xFFFFF800  }
0x52: {  	[hbm:s28], [sflag:s26] =	dma.local [spmem:s29], $0x800  }
0x53: {  	_ =	swait.ge [sflag:s19], $0x800  }
0x54: {  	s21 =	sadd.s32 $0x1, s21;
	s29 =	rddreg [dreg:$0x11]  }
0x55: {  	p1 =	sne.s32 s21, s29  }
.Ltmp1:
0x56: {  	_ = 	snop;
	(pc) =	sbr.rel @!p1 .LBB2_11-.Ltmp1, $3  }
0x57: {  	_ =	sdelay $0x1  }
0x58: {  	[sflag:s19] =	ssyncset.done $0x0  }
0x59: {  	[sflag:s19] =	ssyncadd.s32 $0xFFFFF800  }
.LBB2_1:
0x5a: {  	s26 =	simm.s32 $0x0;
	s28 =	simm.s32 $0x200  }
.LBB2_2:
0x5b: {  	p1 =	sne.s32 s28, $0xFE00;
	[tilespmem:s26+$0x270] =	vst v0  }
0x5c: {  	[tilespmem:s26+$0x200] =	vst v0  }
0x5d: {  	[tilespmem:s26+$0x210] =	vst v0  }
.Ltmp2:
0x5e: {  	[tilespmem:s26+$0x220] =	vst v0;
	(pc) =	sbr.rel @p1 .LBB2_2-.Ltmp2, $4  }
0x5f: {  	[tilespmem:s26+$0x230] =	vst v0  }
0x60: {  	[tilespmem:s26+$0x240] =	vst v0  }
0x61: {  	[tilespmem:s26+$0x250] =	vst v0  }
0x62: {  	[tilespmem:s26+$0x260] =	vst v0;
	s26 =	sshra.s32 s28, $0x2;
	s28 =	sadd.s32 $0x200, s28  }
0x63: {  	[tilespmem:s26+$0x270] =	vst v0  }
0x64: {  	[tilespmem:s26+$0x200] =	vst v0  }
0x65: {  	[tilespmem:s26+$0x210] =	vst v0  }
0x66: {  	[tilespmem:s26+$0x220] =	vst v0  }
0x67: {  	[tilespmem:s26+$0x230] =	vst v0  }
0x68: {  	[tilespmem:s26+$0x240] =	vst v0  }
0x69: {  	[tilespmem:s26+$0x250] =	vst v0  }
0x6a: {  	[tilespmem:s26+$0x260] =	vst v0  }
0x6b: {  	[spmem:s7] =	stream.linear.scatter [tilespmem:s18], [sflag:$0x5], $0x4000, $0x38;
	[tilespmem:$0x1C200] =	vst v63  }
0x6c: {  	_ =	swait.ge [sflag:s19], $0x4000  }
0x6d: {  	[sflag:s19] =	ssyncset.done $0x0  }
0x6e: {  	[sflag:s19] =	ssyncadd.s32 $0xFFFFC000  }
0x6f: {  	[spmem:s31] =	stream.linear.scatter [tilespmem:s18], [sflag:$0x5], $0x4000, $0x38;
	[tilespmem:$0x1C200] =	vst v63  }
0x70: {  	_ =	swait.ge [sflag:s19], $0x4000  }
0x71: {  	[sflag:s19] =	ssyncset.done $0x0  }
0x72: {  	[sflag:s19] =	ssyncadd.s32 $0xFFFFC000  }
0x73: {  	[spmem:s0] =	stream.linear.scatter [tilespmem:s18], [sflag:$0x5], $0x4000, $0x38;
	[tilespmem:$0x1C200] =	vst v63  }
0x74: {  	_ =	swait.ge [sflag:s19], $0x4000  }
0x75: {  	[sflag:s19] =	ssyncset.done $0x0  }
0x76: {  	[sflag:s19] =	ssyncadd.s32 $0xFFFFC000  }
0x77: {  	[spmem:s2] =	stream.linear.scatter [tilespmem:s18], [sflag:$0x5], $0x4000, $0x38;
	[tilespmem:$0x1C200] =	vst v63  }
0x78: {  	_ =	swait.ge [sflag:s19], $0x4000  }
0x79: {  	[sflag:s19] =	ssyncset.done $0x0  }
0x7a: {  	[sflag:s19] =	ssyncadd.s32 $0xFFFFC000  }
0x7b: {  	[spmem:s13] =	stream.linear.scatter [tilespmem:s18], [sflag:$0x5], $0x4000, $0x38;
	[tilespmem:$0x1C200] =	vst v63  }
.Ltmp3:
0x7c: {  	_ =	swait.ge [sflag:s19], $0x4000;
	(pc) =	sbr.rel @!p0 .LBB2_4-.Ltmp3, $4  }
0x7d: {  	[sflag:s19] =	ssyncset.done $0x0  }
0x7e: {  	[sflag:s19] =	ssyncadd.s32 $0xFFFFC000  }
0x7f: {  	[bflag:$0x0] =	sbarrier.arrive $0xFFFF  }
0x80: {  	s26 =	simm.s32 $0x0  }
0x81: {  	s28 =	rddreg [dreg:$0xd]  }
0x82: {  	[tilespmem:s26], [sflag:$0x1] =	stream.linear.gather [hbm4b:s28+s26], $0x80, $0x38;
	[tilespmem:$0x1C200] =	vst v63  }
0x83: {  	s28 =	rddreg [dreg:$0xe]  }
0x84: {  	[tilespmem:s20], [sflag:$0x1] =	stream.linear.gather [hbm4b:s28+s26], $0x80, $0x38;
	[tilespmem:$0x1C200] =	vst v63  }
0x85: {  	s28 =	rddreg [dreg:$0xf]  }
0x86: {  	[tilespmem:s15], [sflag:$0x2] =	stream.linear.gather [hbm4b:s28+s26], $0x80, $0x38;
	[tilespmem:$0x1C200] =	vst v63  }
0x87: {  	s28 =	rddreg [dreg:$0x10]  }
0x88: {  	[tilespmem:s16], [sflag:$0x2] =	stream.linear.gather [hbm4b:s28+s26], $0x80, $0x38;
	[tilespmem:$0x1C200] =	vst v63  }
0x89: {  	_ =	swait.ge [sflag:s8], $0x80  }
0x8a: {  	[sflag:s8] =	ssyncset.done $0x0  }
0x8b: {  	[sflag:s8] =	ssyncadd.s32 $0xFFFFFF80  }
0x8c: {  	_ =	swait.ge [sflag:s8], $0x80  }
0x8d: {  	[sflag:s8] =	ssyncset.done $0x0  }
0x8e: {  	[sflag:s8] =	ssyncadd.s32 $0xFFFFFF80  }
0x8f: {  	[tilespmem:s18], [sflag:$0x3] =	stream.indirect.gather [hbm4b:s1+s15], $0x80, s26, s15, $0xb8;
	[tilespmem:$0x1C200] =	vst v63  }
0x90: {  	_ =	swait.ge [sflag:s9], $0x4000  }
0x91: {  	[sflag:s9] =	ssyncset.done $0x0  }
0x92: {  	[sflag:s9] =	ssyncadd.s32 $0xFFFFC000  }
0x93: {  	_ =	swait.ge [sflag:s10], $0x80  }
0x94: {  	[sflag:s10] =	ssyncset.done $0x0  }
0x95: {  	[sflag:s10] =	ssyncadd.s32 $0xFFFFFF80  }
0x96: {  	_ =	swait.ge [sflag:s10], $0x80  }
0x97: {  	[sflag:s10] =	ssyncset.done $0x0  }
0x98: {  	[sflag:s10] =	ssyncadd.s32 $0xFFFFFF80  }
0x99: {  	[tilespmem:s11], [sflag:$0x4] =	stream.indirect.gather [hbm4b:s1+s15], $0x80, s15, s15, $0xb8;
	[tilespmem:$0x1C200] =	vst v63  }
0x9a: {  	_ = 	snop  }
0x9b: {  	[spmem:s3] =	stream.indirect.scatter.add.f32 [tilespmem:s18], [sflag:$0x5], $0x80, s20, s15, $0xb8;
	[tilespmem:$0x1C200] =	vst v63  }
0x9c: {  	s29 =	sadd.s32 $0x0, s25;
	_ =	swait.ge [sflag:s19], $0x4000  }
0x9d: {  	s26 =	sshrl.u32 s29, $0x3;
	[sflag:s19] =	ssyncset.done $0x0  }
0x9e: {  	s28 =	sadd.s32 s5, s26;
	[sflag:s19] =	ssyncadd.s32 $0xFFFFC000  }
0x9f: {  	[tilespmem:s4], [sflag:$0x1] =	stream.linear.gather [hbm4b:s28+s4], $0x80, $0x38;
	[tilespmem:$0x1C200] =	vst v63  }
0xa0: {  	s26 =	sadd.s32 s6, s26  }
0xa1: {  	[tilespmem:s20], [sflag:$0x1] =	stream.linear.gather [hbm4b:s26+s4], $0x80, $0x38;
	[tilespmem:$0x1C200] =	vst v63  }
0xa2: {  	_ =	swait.ge [sflag:s12], $0x4000  }
0xa3: {  	[sflag:s12] =	ssyncset.done $0x0  }
0xa4: {  	[sflag:s12] =	ssyncadd.s32 $0xFFFFC000  }
0xa5: {  	_ =	swait.ge [sflag:s8], $0x80  }
0xa6: {  	[sflag:s8] =	ssyncset.done $0x0  }
0xa7: {  	[sflag:s8] =	ssyncadd.s32 $0xFFFFFF80  }
0xa8: {  	_ =	swait.ge [sflag:s8], $0x80  }
0xa9: {  	[sflag:s8] =	ssyncset.done $0x0  }
0xaa: {  	[sflag:s8] =	ssyncadd.s32 $0xFFFFFF80  }
0xab: {  	[tilespmem:s18], [sflag:$0x3] =	stream.indirect.gather [hbm4b:s1+s15], $0x80, s4, s15, $0xb8;
	[tilespmem:$0x1C200] =	vst v63  }
0xac: {  	_ = 	snop  }
0xad: {  	[spmem:s3] =	stream.indirect.scatter.add.f32 [tilespmem:s11], [sflag:$0x5], $0x80, s16, s15, $0xb8;
	[tilespmem:$0x1C200] =	vst v63  }
0xae: {  	s30 =	sadd.s32 $0x0, s24;
	_ =	swait.ge [sflag:s19], $0x4000  }
0xaf: {  	s28 =	sshrl.u32 s30, $0x3;
	[sflag:s19] =	ssyncset.done $0x0  }
0xb0: {  	s26 =	sadd.s32 s5, s28;
	[sflag:s19] =	ssyncadd.s32 $0xFFFFC000  }
0xb1: {  	[tilespmem:s15], [sflag:$0x2] =	stream.linear.gather [hbm4b:s26+s4], $0x80, $0x38;
	[tilespmem:$0x1C200] =	vst v63  }
0xb2: {  	s28 =	sadd.s32 s6, s28;
	s26 =	simm.s32 $0x1000  }
.LBB2_8:
0xb3: {  	[tilespmem:s16], [sflag:$0x2] =	stream.linear.gather [hbm4b:s28+s4], $0x80, $0x38;
	[tilespmem:$0x1C200] =	vst v63  }
0xb4: {  	s28 =	smov.u32 s26  }
0xb5: {  	p1 =	sne.s32 s26, $0x13000;
	s26 =	sadd.s32 $0x1000, s26;
	_ =	swait.ge [sflag:s9], $0x4000  }
0xb6: {  	[sflag:s9] =	ssyncset.done $0x0  }
0xb7: {  	[sflag:s9] =	ssyncadd.s32 $0xFFFFC000  }
0xb8: {  	_ =	swait.ge [sflag:s10], $0x80  }
0xb9: {  	[sflag:s10] =	ssyncset.done $0x0  }
0xba: {  	[sflag:s10] =	ssyncadd.s32 $0xFFFFFF80  }
0xbb: {  	_ =	swait.ge [sflag:s10], $0x80  }
0xbc: {  	[sflag:s10] =	ssyncset.done $0x0  }
0xbd: {  	[sflag:s10] =	ssyncadd.s32 $0xFFFFFF80  }
0xbe: {  	[tilespmem:s11], [sflag:$0x4] =	stream.indirect.gather [hbm4b:s1+s15], $0x80, s15, s15, $0xb8;
	[tilespmem:$0x1C200] =	vst v63  }
0xbf: {  	_ = 	snop  }
0xc0: {  	[spmem:s3] =	stream.indirect.scatter.add.f32 [tilespmem:s18], [sflag:$0x5], $0x80, s20, s15, $0xb8;
	[tilespmem:$0x1C200] =	vst v63  }
0xc1: {  	s29 =	sadd.s32 s28, s25;
	_ =	swait.ge [sflag:s19], $0x4000  }
0xc2: {  	s29 =	sshrl.u32 s29, $0x3;
	[sflag:s19] =	ssyncset.done $0x0  }
0xc3: {  	s30 =	sadd.s32 s5, s29;
	[sflag:s19] =	ssyncadd.s32 $0xFFFFC000  }
0xc4: {  	[tilespmem:s4], [sflag:$0x1] =	stream.linear.gather [hbm4b:s30+s4], $0x80, $0x38;
	[tilespmem:$0x1C200] =	vst v63  }
0xc5: {  	s29 =	sadd.s32 s6, s29  }
0xc6: {  	[tilespmem:s20], [sflag:$0x1] =	stream.linear.gather [hbm4b:s29+s4], $0x80, $0x38;
	[tilespmem:$0x1C200] =	vst v63  }
0xc7: {  	_ =	swait.ge [sflag:s12], $0x4000  }
0xc8: {  	[sflag:s12] =	ssyncset.done $0x0  }
0xc9: {  	[sflag:s12] =	ssyncadd.s32 $0xFFFFC000  }
0xca: {  	_ =	swait.ge [sflag:s8], $0x80  }
0xcb: {  	[sflag:s8] =	ssyncset.done $0x0  }
0xcc: {  	[sflag:s8] =	ssyncadd.s32 $0xFFFFFF80  }
0xcd: {  	_ =	swait.ge [sflag:s8], $0x80  }
0xce: {  	[sflag:s8] =	ssyncset.done $0x0  }
0xcf: {  	[sflag:s8] =	ssyncadd.s32 $0xFFFFFF80  }
0xd0: {  	[tilespmem:s18], [sflag:$0x3] =	stream.indirect.gather [hbm4b:s1+s15], $0x80, s4, s15, $0xb8;
	[tilespmem:$0x1C200] =	vst v63  }
0xd1: {  	_ = 	snop  }
0xd2: {  	[spmem:s3] =	stream.indirect.scatter.add.f32 [tilespmem:s11], [sflag:$0x5], $0x80, s16, s15, $0xb8;
	[tilespmem:$0x1C200] =	vst v63  }
.Ltmp4:
0xd3: {  	s28 =	sadd.s32 s28, s24;
	_ =	swait.ge [sflag:s19], $0x4000;
	(pc) =	sbr.rel @p1 .LBB2_8-.Ltmp4, $4  }
0xd4: {  	s28 =	sshrl.u32 s28, $0x3;
	[sflag:s19] =	ssyncset.done $0x0  }
0xd5: {  	s29 =	sadd.s32 s5, s28;
	[sflag:s19] =	ssyncadd.s32 $0xFFFFC000  }
0xd6: {  	[tilespmem:s15], [sflag:$0x2] =	stream.linear.gather [hbm4b:s29+s4], $0x80, $0x38;
	[tilespmem:$0x1C200] =	vst v63  }
0xd7: {  	s28 =	sadd.s32 s6, s28  }
.Ltmp5:
0xd8: {  	(pc) =	sbr.rel .LBB2_10-.Ltmp5, $3  }
0xd9: {  	_ =	sdelay $0x1  }
0xda: {  	[tilespmem:s16], [sflag:$0x2] =	stream.linear.gather [hbm4b:s28+s4], $0x80, $0x38;
	[tilespmem:$0x1C200] =	vst v63  }
0xdb: {  	s30 =	stileid.u32  }
.LBB2_4:
0xdc: {  	s28 =	rddreg [dreg:$0xb]  }
0xdd: {  	[tilespmem:s26], [sflag:$0x1] =	stream.linear.gather [hbm4b:s28+s26], $0x80, $0x38;
	[tilespmem:$0x1C200] =	vst v63  }
0xde: {  	s28 =	rddreg [dreg:$0xc]  }
0xdf: {  	[tilespmem:s20], [sflag:$0x1] =	stream.linear.gather [hbm4b:s28+s26], $0x80, $0x38;
	[tilespmem:$0x1C200] =	vst v63  }
0xe0: {  	s28 =	rddreg [dreg:$0x9]  }
0xe1: {  	[tilespmem:s15], [sflag:$0x2] =	stream.linear.gather [hbm4b:s28+s26], $0x80, $0x38;
	[tilespmem:$0x1C200] =	vst v63  }
0xe2: {  	s28 =	rddreg [dreg:$0xa]  }
0xe3: {  	[tilespmem:s16], [sflag:$0x2] =	stream.linear.gather [hbm4b:s28+s26], $0x80, $0x38;
	[tilespmem:$0x1C200] =	vst v63  }
0xe4: {  	_ =	swait.ge [sflag:s8], $0x80  }
0xe5: {  	[sflag:s8] =	ssyncset.done $0x0  }
0xe6: {  	[sflag:s8] =	ssyncadd.s32 $0xFFFFFF80  }
0xe7: {  	_ =	swait.ge [sflag:s8], $0x80  }
0xe8: {  	[sflag:s8] =	ssyncset.done $0x0  }
0xe9: {  	[sflag:s8] =	ssyncadd.s32 $0xFFFFFF80  }
0xea: {  	[tilespmem:s18], [sflag:$0x3] =	stream.indirect.gather [hbm4b:s1+s15], $0x80, s26, s15, $0xb8;
	[tilespmem:$0x1C200] =	vst v63  }
0xeb: {  	_ =	swait.ge [sflag:s9], $0x4000  }
0xec: {  	[sflag:s9] =	ssyncset.done $0x0  }
0xed: {  	[sflag:s9] =	ssyncadd.s32 $0xFFFFC000  }
0xee: {  	_ =	swait.ge [sflag:s10], $0x80  }
0xef: {  	[sflag:s10] =	ssyncset.done $0x0  }
0xf0: {  	[sflag:s10] =	ssyncadd.s32 $0xFFFFFF80  }
0xf1: {  	_ =	swait.ge [sflag:s10], $0x80  }
0xf2: {  	[sflag:s10] =	ssyncset.done $0x0  }
0xf3: {  	[sflag:s10] =	ssyncadd.s32 $0xFFFFFF80  }
0xf4: {  	[tilespmem:s11], [sflag:$0x4] =	stream.indirect.gather [hbm4b:s1+s15], $0x80, s15, s15, $0xb8;
	[tilespmem:$0x1C200] =	vst v63  }
0xf5: {  	_ = 	snop  }
0xf6: {  	[spmem:s3] =	stream.indirect.scatter.add.f32 [tilespmem:s18], [sflag:$0x5], $0x80, s20, s15, $0xb8;
	[tilespmem:$0x1C200] =	vst v63  }
0xf7: {  	_ =	swait.ge [sflag:s19], $0x4000  }
0xf8: {  	[sflag:s19] =	ssyncset.done $0x0  }
0xf9: {  	s29 =	sadd.s32 $0x0, s17;
	[sflag:s19] =	ssyncadd.s32 $0xFFFFC000  }
0xfa: {  	[tilespmem:s4], [sflag:$0x1] =	stream.linear.gather [hbm4b:s29+s4], $0x80, $0x38;
	[tilespmem:$0x1C200] =	vst v63  }
0xfb: {  	s29 =	sadd.s32 $0x0, s14  }
0xfc: {  	[tilespmem:s20], [sflag:$0x1] =	stream.linear.gather [hbm4b:s29+s4], $0x80, $0x38;
	[tilespmem:$0x1C200] =	vst v63  }
0xfd: {  	_ =	swait.ge [sflag:s12], $0x4000  }
0xfe: {  	[sflag:s12] =	ssyncset.done $0x0  }
0xff: {  	[sflag:s12] =	ssyncadd.s32 $0xFFFFC000  }
0x100: {  	_ =	swait.ge [sflag:s8], $0x80  }
0x101: {  	[sflag:s8] =	ssyncset.done $0x0  }
0x102: {  	[sflag:s8] =	ssyncadd.s32 $0xFFFFFF80  }
0x103: {  	_ =	swait.ge [sflag:s8], $0x80  }
0x104: {  	[sflag:s8] =	ssyncset.done $0x0  }
0x105: {  	[sflag:s8] =	ssyncadd.s32 $0xFFFFFF80  }
0x106: {  	[tilespmem:s18], [sflag:$0x3] =	stream.indirect.gather [hbm4b:s1+s15], $0x80, s4, s15, $0xb8;
	[tilespmem:$0x1C200] =	vst v63  }
0x107: {  	_ = 	snop  }
0x108: {  	[spmem:s3] =	stream.indirect.scatter.add.f32 [tilespmem:s11], [sflag:$0x5], $0x80, s16, s15, $0xb8;
	[tilespmem:$0x1C200] =	vst v63  }
0x109: {  	_ =	swait.ge [sflag:s19], $0x4000  }
0x10a: {  	s28 =	sadd.s32 $0x0, s23;
	[sflag:s19] =	ssyncset.done $0x0  }
0x10b: {  	s26 =	simm.s32 $0x200;
	s29 =	sadd.s32 $0x0, s22;
	[sflag:s19] =	ssyncadd.s32 $0xFFFFC000  }
0x10c: {  	[tilespmem:s15], [sflag:$0x2] =	stream.linear.gather [hbm4b:s29+s4], $0x80, $0x38;
	[tilespmem:$0x1C200] =	vst v63  }
.LBB2_5:
0x10d: {  	[tilespmem:s16], [sflag:$0x2] =	stream.linear.gather [hbm4b:s28+s4], $0x80, $0x38;
	[tilespmem:$0x1C200] =	vst v63  }
0x10e: {  	s28 =	smov.u32 s26  }
0x10f: {  	p1 =	seq.s32 s26, $0x7200;
	s26 =	sadd.s32 $0x200, s26;
	_ =	swait.ge [sflag:s9], $0x4000  }
0x110: {  	[sflag:s9] =	ssyncset.done $0x0  }
0x111: {  	[sflag:s9] =	ssyncadd.s32 $0xFFFFC000  }
0x112: {  	_ =	swait.ge [sflag:s10], $0x80  }
0x113: {  	[sflag:s10] =	ssyncset.done $0x0  }
0x114: {  	[sflag:s10] =	ssyncadd.s32 $0xFFFFFF80  }
0x115: {  	_ =	swait.ge [sflag:s10], $0x80  }
0x116: {  	[sflag:s10] =	ssyncset.done $0x0  }
0x117: {  	[sflag:s10] =	ssyncadd.s32 $0xFFFFFF80  }
0x118: {  	[tilespmem:s11], [sflag:$0x4] =	stream.indirect.gather [hbm4b:s1+s15], $0x80, s15, s15, $0xb8;
	[tilespmem:$0x1C200] =	vst v63  }
0x119: {  	_ = 	snop  }
0x11a: {  	[spmem:s3] =	stream.indirect.scatter.add.f32 [tilespmem:s18], [sflag:$0x5], $0x80, s20, s15, $0xb8;
	[tilespmem:$0x1C200] =	vst v63  }
0x11b: {  	_ =	swait.ge [sflag:s19], $0x4000  }
0x11c: {  	[sflag:s19] =	ssyncset.done $0x0  }
0x11d: {  	s29 =	sadd.s32 s28, s17;
	[sflag:s19] =	ssyncadd.s32 $0xFFFFC000  }
0x11e: {  	[tilespmem:s4], [sflag:$0x1] =	stream.linear.gather [hbm4b:s29+s4], $0x80, $0x38;
	[tilespmem:$0x1C200] =	vst v63  }
0x11f: {  	s29 =	sadd.s32 s28, s14  }
0x120: {  	[tilespmem:s20], [sflag:$0x1] =	stream.linear.gather [hbm4b:s29+s4], $0x80, $0x38;
	[tilespmem:$0x1C200] =	vst v63  }
0x121: {  	_ =	swait.ge [sflag:s12], $0x4000  }
0x122: {  	[sflag:s12] =	ssyncset.done $0x0  }
0x123: {  	[sflag:s12] =	ssyncadd.s32 $0xFFFFC000  }
0x124: {  	_ =	swait.ge [sflag:s8], $0x80  }
0x125: {  	[sflag:s8] =	ssyncset.done $0x0  }
0x126: {  	[sflag:s8] =	ssyncadd.s32 $0xFFFFFF80  }
0x127: {  	_ =	swait.ge [sflag:s8], $0x80  }
0x128: {  	[sflag:s8] =	ssyncset.done $0x0  }
0x129: {  	[sflag:s8] =	ssyncadd.s32 $0xFFFFFF80  }
0x12a: {  	[tilespmem:s18], [sflag:$0x3] =	stream.indirect.gather [hbm4b:s1+s15], $0x80, s4, s15, $0xb8;
	[tilespmem:$0x1C200] =	vst v63  }
0x12b: {  	_ = 	snop  }
0x12c: {  	[spmem:s3] =	stream.indirect.scatter.add.f32 [tilespmem:s11], [sflag:$0x5], $0x80, s16, s15, $0xb8;
	[tilespmem:$0x1C200] =	vst v63  }
.Ltmp6:
0x12d: {  	_ =	swait.ge [sflag:s19], $0x4000;
	(pc) =	sbr.rel @!p1 .LBB2_5-.Ltmp6, $4  }
0x12e: {  	[sflag:s19] =	ssyncset.done $0x0  }
0x12f: {  	s29 =	sadd.s32 s28, s22;
	[sflag:s19] =	ssyncadd.s32 $0xFFFFC000  }
0x130: {  	[tilespmem:s15], [sflag:$0x2] =	stream.linear.gather [hbm4b:s29+s4], $0x80, $0x38;
	[tilespmem:$0x1C200] =	vst v63  }
0x131: {  	s28 =	sadd.s32 s28, s23  }
.Ltmp7:
0x132: {  	_ = 	snop;
	(pc) =	sbr.rel .LBB2_6-.Ltmp7, $1  }
0x133: {  	_ =	sdelay $0x3  }
.LBB2_11:
0x134: {  	_ =	sfence.sel $0x180000  }
0x135: {  	[bflag:$0x0] =	sbarrier.arrive $0xFFFF  }
0x136: {  	_ =	strace $0x9000004A  }
0x137: {  	[bflag:$0x2] =	sbarrier.arrive $0xFFFF  }
0x138: {  	p0 =	sne.s32 s30, $0x0;
	s0 =	rddreg [dreg:$0x3]  }
0x139: {  	s0 =	sadd.s32 @!p0 $0x100000, s0  }
0x13a: {  	[sflag:s0] =	ssyncadd.tile.s32 @!p0 $0x1;
	_ =	shalt  }
.Lfunc_end2:
_tile_overlayer_lowered:
.L_overlay_start_2:
0x13b: {  	(tag) =	ssettag $0x2  }
0x13c: {  	s0 =	rddreg [dreg:$0x0];
	s2 =	stileid.u32  }
0x13d: {  	s1 =	rddreg [dreg:$0x1];
	p0 =	sne.s32 s2, $0x0  }
0x13e: {  	s3 =	rddreg [dreg:$0x2];
	[bflag:$0x3] =	sbarrier.arrive $0xFFFF;
	s2 =	simm.s32 @!p0 $0x1C05  }
0x13f: {  	[timem:s3], [sflag:s2] =	dma.local @!p0 [hbm:s0], s1  }
0x140: {  	s0 =	simm.s32 @!p0 $0x5  }
0x141: {  	_ =	swait.ge @!p0 [sflag:s0], s1  }
0x142: {  	s1 =	ssub.s32 @!p0 $0x0, s1;
	[sflag:s0] =	ssyncset.done @!p0 $0x0  }
0x143: {  	[sflag:s0] =	ssyncadd.s32 @!p0 s1  }
0x144: {  	[bflag:$0x3] =	sbarrier.arrive $0xFFFF  }
0x145: {  	_ =	shalt  }

// kernel: kernel.7.cloned.1.call-start
scs
__scs_entry_jumppad:
0x0: {  	(pc) =	sbr.rel $0x88, $3  }
0x1: {  	(tag) =	ssettag $0x0;
	lr =	simm.s32 $0x1  }
0x2: {  	[smem:$0x3F99] =	sst lr;
	_ =	strace $0xD0000000  }
0x3: {  	_ = 	snop  }
0x4: {  	_ = 	snop  }
0x5: {  	_ = 	snop  }
0x6: {  	_ = 	snop  }
0x7: {  	_ = 	snop  }
__scs_overlays_trampoline_lowered:
0x8: {  	[smem:$0x3FA8] =	sst s0  }
0x9: {  	[smem:$0x3FA9] =	sst s1  }
0xa: {  	[smem:$0x3FAA] =	sst s2  }
0xb: {  	[smem:$0x3FAB] =	sst s3  }
0xc: {  	[smem:$0x3FAC] =	sst s4  }
0xd: {  	[smem:$0x3FAD] =	sst s5  }
0xe: {  	[smem:$0x3FAE] =	sst s6  }
0xf: {  	[smem:$0x3FAF] =	sst s7  }
0x10: {  	[smem:$0x3FB0] =	sst s8  }
0x11: {  	[smem:$0x3FB1] =	sst s9;
	s0 =	simm.s32 @!p0 $0x0  }
0x12: {  	s1 =	sld [smem:$0x3F97];
	s0 =	simm.s32 @p0 $0x1  }
0x13: {  	[smem:$0x3FB2] =	sst s0;
	s0 =	simm.s32 @!p1 $0x0  }
0x14: {  	s2 =	sld [smem:$0x3F96];
	s0 =	simm.s32 @p1 $0x1  }
0x15: {  	[smem:$0x3FB3] =	sst s0;
	s0 =	simm.s32 @!p2 $0x0  }
0x16: {  	s3 =	sld [smem:$0x3FDB];
	s0 =	simm.s32 @p2 $0x1  }
0x17: {  	s4 =	simm.s32 $0x1BF5;
	[smem:$0x3FB5] =	sst s0  }
0x18: {  	s0 =	sld [smem:$0x3F98];
	_ =	swait.ge [sflag:s4], $0x0  }
0x19: {  	s7 =	sld [smem:$0x3F99]  }
0x1a: {  	s8 =	sadd.s32 $0xFFFFE003, lr  }
0x1b: {  	s9 =	sadd.s32 $0xFFFFFEF7, lr;
	s5 =	simm.s32 $0xFFFFFFFF;
	p2 =	slt.u32 s8, $0xFFFFF086  }
0x1c: {  	p1 =	slt.u32 s9, $0xF7A;
	s5 =	simm.s32 @!p2 $0x0  }
0x1d: {  	s5 =	simm.s32 @p1 $0x1;
	p0 =	seq.s32 s7, s2  }
0x1e: {  	s7 =	smul.u32 @!p0 $0xF7A, s2;
	p2 =	seq.s32 @!p0 s5, $0x0  }
0x1f: {  	s9 =	smul.u32 $0xF7A, s1;
	s8 =	simm.s32 @!p0 $0x1BF5;
	p2 =	por !p2, p0  }
0x20: {  	[sflag:s8] =	ssyncset.s32 @!p0 $0xFFFFF086;
	s6 =	sadd.s32 @!p0 s3, s7;
	s7 =	simm.s32 @!p0 $0x108  }
0x21: {  	s3 =	sadd.s32 s3, s9;
	s6 =	sadd.s32 @!p0 $0x88, s6;
	s7 =	simm.s32 @p2 $0x1082  }
0x22: {  	[simem:s7], [sflag:s8] =	dma.local @!p0 [hbm:s6], $0xF7A  }
0x23: {  	s9 =	sor.u32 $0xD0000000, s2;
	s6 =	simm.s32 $0x108;
	_ =	swait.ge @!p0 [sflag:s8], $0x0  }
0x24: {  	s3 =	sadd.s32 $0x88, s3;
	s6 =	simm.s32 @!p1 $0x1082;
	[sflag:s4] =	ssyncset.s32 $0xFFFFF086  }
0x25: {  	[simem:s6], [sflag:s4] =	dma.local [hbm:s3], $0xF7A  }
0x26: {  	[smem:$0x3F99] =	sst s1;
	(tag) =	ssettag s2;
	_ =	strace s9  }
0x27: {  	s1 =	sld [smem:$0x3FA9]  }
0x28: {  	s2 =	sld [smem:$0x3FAA]  }
0x29: {  	s4 =	sld [smem:$0x3FAC]  }
0x2a: {  	p0 =	seq.s32 s5, $0x0;
	s5 =	sld [smem:$0x3FAD]  }
0x2b: {  	s6 =	sld [smem:$0x3FAE]  }
0x2c: {  	s7 =	sld [smem:$0x3FAF]  }
0x2d: {  	s3 =	simm.s32 $0x108;
	s8 =	sld [smem:$0x3FB0]  }
0x2e: {  	s3 =	simm.s32 @!p0 $0x1082;
	s9 =	sld [smem:$0x3FB1]  }
0x2f: {  	lr =	sadd.s32 s0, s3;
	s0 =	sld [smem:$0x3FA8]  }
0x30: {  	s3 =	sld [smem:$0x3FAB]  }
0x31: {  	[smem:$0x3FB4] =	sst s10  }
0x32: {  	s10 =	sld [smem:$0x3FB2];
	_ =	sdelay $0x3  }
0x33: {  	p0 =	seq.s32 s10, $0x1;
	s10 =	sld [smem:$0x3FB4];
	_ =	sdelay $0x3  }
0x34: {  	[smem:$0x3FB4] =	sst s10  }
0x35: {  	s10 =	sld [smem:$0x3FB3];
	_ =	sdelay $0x3  }
0x36: {  	p1 =	seq.s32 s10, $0x1;
	s10 =	sld [smem:$0x3FB4];
	_ =	sdelay $0x3  }
0x37: {  	[smem:$0x3FB4] =	sst s10  }
0x38: {  	s10 =	sld [smem:$0x3FB5]  }
0x39: {  	_ = 	snop;
	(pc) =	sbr.ind lr, $3  }
0x3a: {  	_ = 	snop  }
0x3b: {  	_ = 	snop  }
0x3c: {  	p2 =	seq.s32 s10, $0x1;
	s10 =	sld [smem:$0x3FB4]  }
0x3d: {  	_ =	shalt  }
0x3e: {  	_ =	shalt  }
0x3f: {  	_ =	shalt  }
0x40: {  	_ =	shalt  }
0x41: {  	_ =	shalt  }
0x42: {  	_ =	shalt  }
0x43: {  	_ =	shalt  }
0x44: {  	_ =	shalt  }
0x45: {  	_ =	shalt  }
0x46: {  	_ =	shalt  }
0x47: {  	_ =	shalt  }
0x48: {  	_ =	shalt  }
0x49: {  	_ =	shalt  }
0x4a: {  	_ =	shalt  }
0x4b: {  	_ =	shalt  }
0x4c: {  	_ =	shalt  }
0x4d: {  	_ =	shalt  }
0x4e: {  	_ =	shalt  }
0x4f: {  	_ =	shalt  }
0x50: {  	_ =	shalt  }
0x51: {  	_ =	shalt  }
0x52: {  	_ =	shalt  }
0x53: {  	_ =	shalt  }
0x54: {  	_ =	shalt  }
0x55: {  	_ =	shalt  }
0x56: {  	_ =	shalt  }
0x57: {  	_ =	shalt  }
0x58: {  	_ =	shalt  }
0x59: {  	_ =	shalt  }
0x5a: {  	_ =	shalt  }
0x5b: {  	_ =	shalt  }
0x5c: {  	_ =	shalt  }
0x5d: {  	_ =	shalt  }
0x5e: {  	_ =	shalt  }
0x5f: {  	_ =	shalt  }
0x60: {  	_ =	shalt  }
0x61: {  	_ =	shalt  }
0x62: {  	_ =	shalt  }
0x63: {  	_ =	shalt  }
0x64: {  	_ =	shalt  }
0x65: {  	_ =	shalt  }
0x66: {  	_ =	shalt  }
0x67: {  	_ =	shalt  }
0x68: {  	_ =	shalt  }
0x69: {  	_ =	shalt  }
0x6a: {  	_ =	shalt  }
0x6b: {  	_ =	shalt  }
0x6c: {  	_ =	shalt  }
0x6d: {  	_ =	shalt  }
0x6e: {  	_ =	shalt  }
0x6f: {  	_ =	shalt  }
0x70: {  	_ =	shalt  }
0x71: {  	_ =	shalt  }
0x72: {  	_ =	shalt  }
0x73: {  	_ =	shalt  }
0x74: {  	_ =	shalt  }
0x75: {  	_ =	shalt  }
0x76: {  	_ =	shalt  }
0x77: {  	_ =	shalt  }
0x78: {  	_ =	shalt  }
0x79: {  	_ =	shalt  }
0x7a: {  	_ =	shalt  }
0x7b: {  	_ =	shalt  }
0x7c: {  	_ =	shalt  }
0x7d: {  	_ =	shalt  }
0x7e: {  	_ =	shalt  }
0x7f: {  	_ =	shalt  }
0x80: {  	_ =	shalt  }
0x81: {  	_ =	shalt  }
0x82: {  	_ =	shalt  }
0x83: {  	_ =	shalt  }
0x84: {  	_ =	shalt  }
0x85: {  	_ =	shalt  }
0x86: {  	_ =	shalt  }
0x87: {  	_ =	shalt  }
.Lfunc_end0:
.L_simem_size_0:
called_computation_lowered:
.L_overlay_start_0:
0x88: {  	s2 =	sld [smem:$0x3FD9]  }
0x89: {  	s3 =	sld [smem:$0x3FFE];
	_ =	sdelay $0x1  }
0x8a: {  	s1 =	srdreg.scid  }
0x8b: {  	s0 =	sand.u32 $0x1, s1  }
0x8c: {  	s17 =	sshll.u32 s0, $0xA;
	s2 =	sadd.s32 s3, s2  }
0x8d: {  	s2 =	sadd.s32 s2, s17  }
0x8e: {  	[smem:$0x3FC0] =	sst s2  }
0x8f: {  	_ = 	snop  }
0x90: {  	s2 =	sld [smem:$0x3FD0];
	(tm) =	ssettm $0x1  }
0x91: {  	s18 =	sld [smem:$0x3FFB];
	_ =	sdelay $0x3  }
0x92: {  	_ =	strace s18  }
0x93: {  	s3 =	sld [smem:$0x3FFC];
	_ =	sdelay $0x3  }
0x94: {  	_ =	strace s3  }
0x95: {  	s3 =	sld [smem:$0x3FFD];
	_ =	sdelay $0x3  }
0x96: {  	_ =	strace s3  }
0x97: {  	_ =	strace $0x8FFFFFFF  }
0x98: {  	s19 =	sld [smem:$0x3FDB];
	_ =	sdelay $0x1  }
0x99: {  	s4 =	simm.s32 $_scs_section_size  }
0x9a: {  	s5 =	simm.s32 $_size__tile_overlayer_lowered;
	s6 =	simm.s32 $_tile_overlayer_lowered  }
0x9b: {  	s22 =	simm.s32 $0x1BFF;
	s21 =	sshll.u32 s6, $0x1;
	s3 =	sadd.s32 s4, s19  }
0x9c: {  	s7 =	simm.s32 $0x0;
	s20 =	sshll.u32 s5, $0x1;
	s5 =	sadd.s32 s21, s3  }
0x9d: {  	[timem:s7], [sflag:s22] =	dma.local [hbm:s5], s20  }
0x9e: {  	_ =	swait.ge [sflag:s22], s20  }
0x9f: {  	s4 =	ssub.s32 $0x0, s20;
	[sflag:s22] =	ssyncset.done $0x0  }
0xa0: {  	[sflag:s22] =	ssyncadd.s32 s4;
	_ =	sdelay $0x1  }
0xa1: {  	s23 =	simm.s32 $0x1B8B  }
0xa2: {  	_ =	swait.ge [sflag:s23], $0x1  }
0xa3: {  	[sflag:s23] =	ssyncset.done $0x0  }
0xa4: {  	s25 =	simm.s32 $0x1B8E;
	s24 =	sld [smem:$0x3FFE];
	[sflag:s23] =	ssyncadd.s32 $0xFFFFFFFF  }
0xa5: {  	s26 =	simm.s32 $execute0_lowered;
	[smem:$0x3FD2] =	sst s25  }
0xa6: {  	s5 =	sshll.u32 s26, $0x1;
	_ =	strace $0x80000046;
	[dreg:$0x1] =	wrdreg $0xFFFFFFFF  }
0xa7: {  	s28 =	simm.s32 $_size_execute0_lowered;
	s3 =	sadd.s32 s3, s5;
	[dreg:$0x0] =	wrdreg $0x0  }
0xa8: {  	s5 =	sshll.u32 s28, $0x1;
	[dreg:$0x2] =	wrdreg s3  }
0xa9: {  	[dreg:$0x3] =	wrdreg s5  }
0xaa: {  	[dreg:$0x4] =	wrdreg $0xC0  }
0xab: {  	_ =	task [dreg:s7], $0x5FFFF  }
0xac: {  	[dreg:$0x1] =	wrdreg $0xFFFFFFFF  }
0xad: {  	[dreg:$0x0] =	wrdreg $0x60  }
0xae: {  	[dreg:$0x2] =	wrdreg s24  }
0xaf: {  	[dreg:$0x3] =	wrdreg s2  }
0xb0: {  	[dreg:$0x4] =	wrdreg $0x4000  }
0xb1: {  	[dreg:$0x5] =	wrdreg $0x9  }
0xb2: {  	_ =	task.clear_ibuf [dreg:s7], $0x6FFFF;
	_ =	strace $0x90000046  }
0xb3: {  	s29 =	simm.s32 $0x9;
	_ =	strace $0x80000048  }
0xb4: {  	_ =	swait.ge [sflag:s29], $0x1  }
0xb5: {  	[sflag:s29] =	ssyncadd.s32 $0xFFFFFFFF  }
0xb6: {  	_ =	strace $0x90000048  }
0xb7: {  	_ =	sfence  }
0xb8: {  	s30 =	sld [smem:$0x0];
	_ =	sdelay $0x2  }
0xb9: {  	s31 =	sshll.u32 s1, $0xD;
	s1 =	sshrl.u32 s1, $0x2  }
0xba: {  	s3 =	sand.u32 $0x4000, s31;
	s1 =	sadd.s32 s1, s30  }
0xbb: {  	s0 =	sor.u32 s3, s0;
	s1 =	sshll.u32 s1, $0x11  }
0xbc: {  	s0 =	sor.u32 s1, s0  }
0xbd: {  	s0 =	sadd.s32 $0x8F2B, s0  }
0xbe: {  	[sflag:s0] =	ssyncadd.remote.s32 $0x1  }
0xbf: {  	_ =	sfence.sel $0xFFFF  }
0xc0: {  	[dreg:$0x0] =	wrdreg $0xFFFFFFFF;
	(pc) =	sbr.abs _section_cstart, $3  }
0xc1: {  	[dreg:$0x1] =	wrdreg $0xFFFFFFFF  }
0xc2: {  	_ =	task.clear_ibuf [dreg:s7], $0x2FFFF;
	_ =	strace $0x9FFFFFFF  }
0xc3: {  	(tm) =	ssettm $0x7FFFFFFF  }
tec
execute0_lowered:
.L_overlay_start_1:
0x0: {  	(tag) =	ssettag $0x1  }
0x1: {  	s4 =	rddreg [dreg:$0x0]  }
0x2: {  	s7 =	rddreg [dreg:$0x1]  }
0x3: {  	s1 =	rddreg [dreg:$0x2]  }
0x4: {  	s0 =	rddreg [dreg:$0x3]  }
0x5: {  	s3 =	simm.s32 $0x0;
	s2 =	srdreg.scid;
	s15 =	simm.s32 $0x100  }
0x6: {  	s16 =	simm.s32 $0x2;
	s19 =	simm.s32 $0x20;
	s8 =	sand.u32 $0x1, s2  }
0x7: {  	s20 =	simm.s32 $0x10;
	s2 =	stileid.u32;
	s5 =	smul.u32 $0x500, s8  }
0x8: {  	s21 =	simm.s32 $0x0;
	[smem:$0x7FF] =	sst s3;
	s9 =	smul.u32 $0xA00, s2  }
0x9: {  	s10 =	sadd.s32 $0xBA00, s4;
	_ =	strace $0x80000047;
	s13 =	smul.u32 $0x5000, s8  }
0xa: {  	s6 =	ssub.s32 $0x2, s8;
	s11 =	sshll.u32 s2, $0x4;
	s30 =	smul.u32 $0x500, s2  }
0xb: {  	s8 =	sshll.u32 s8, $0x7;
	s17 =	sshll.u32 s2, $0x6;
	s29 =	sshrl.u32 s6, $0x1  }
0xc: {  	s12 =	sand.u32 $0x70, s11;
	s17 =	sor.u32 $0x1C03, s17;
	s5 =	sor.u32 s2, s5  }
0xd: {  	s9 =	sshrl.u32 s9, $0x2;
	s14 =	ssub.s32 s6, s29;
	s11 =	sor.u32 s11, s13  }
0xe: {  	s8 =	sor.u32 s8, s30;
	s5 =	sshll.u32 s5, $0x4;
	s4 =	sadd.s32 s9, s1  }
0xf: {  	s13 =	sor.u32 $0x100, s11;
	s11 =	sand.u32 $0x7080, s11;
	s8 =	sshrl.u32 s8, $0x3  }
0x10: {  	s5 =	sand.u32 $0x7080, s5;
	s31 =	sand.u32 $0x7180, s13;
	s7 =	sadd.s32 s7, s8  }
0x11: {  	s8 =	smax.u32 s14, $0x1;
	s13 =	simm.s32 $0x80;
	s14 =	simm.s32 $0x1  }
0x12: {  	s18 =	sshrl.u32 s4, $0x3;
	s5 =	sor.u32 s12, s5;
	s9 =	sadd.s32 s31, s10  }
0x13: {  	s5 =	sadd.s32 s10, s5;
	s10 =	sadd.s32 s11, s10;
	s9 =	sadd.s32 s12, s9  }
0x14: {  	s11 =	simm.s32 $0x180;
	s6 =	sadd.s32 $0x100, s5;
	s10 =	sadd.s32 s12, s10  }
0x15: {  	v0 =	vimm.f32 $0.0e+00;
	v1 =	vimm.f32 $1.000000000e+00;
	s9 =	sadd.s32 $0x200, s9;
	s12 =	simm.s32 $0x3;
	s10 =	sadd.s32 $0x200, s10  }
.LBB2_1:
0x16: {  	[tilespmem:$0x180] =	vst v0  }
0x17: {  	[tilespmem:$0x190] =	vst v0  }
0x18: {  	[tilespmem:$0x1A0] =	vst v0  }
0x19: {  	[tilespmem:$0x1B0] =	vst v0  }
0x1a: {  	[tilespmem:$0x1C0] =	vst v0  }
0x1b: {  	[tilespmem:$0x1D0] =	vst v0  }
0x1c: {  	[tilespmem:$0x1E0] =	vst v0  }
0x1d: {  	[tilespmem:$0x1F0] =	vst v0  }
0x1e: {  	[tilespmem:$0x200] =	vst v0  }
0x1f: {  	[tilespmem:$0x210] =	vst v0  }
0x20: {  	[tilespmem:$0x220] =	vst v0  }
0x21: {  	[tilespmem:$0x230] =	vst v0  }
0x22: {  	[tilespmem:$0x240] =	vst v0  }
0x23: {  	[tilespmem:$0x250] =	vst v0  }
0x24: {  	[tilespmem:$0x260] =	vst v0  }
0x25: {  	[tilespmem:$0x270] =	vst v0  }
0x26: {  	[tilespmem:$0x280] =	vst v0  }
0x27: {  	[tilespmem:$0x290] =	vst v0  }
0x28: {  	[tilespmem:$0x2A0] =	vst v0  }
0x29: {  	[tilespmem:$0x2B0] =	vst v0  }
0x2a: {  	[tilespmem:$0x2C0] =	vst v0  }
0x2b: {  	[tilespmem:$0x2D0] =	vst v0  }
0x2c: {  	[tilespmem:$0x2E0] =	vst v0  }
0x2d: {  	[tilespmem:$0x2F0] =	vst v0  }
0x2e: {  	[tilespmem:$0x300] =	vst v0  }
0x2f: {  	[tilespmem:$0x310] =	vst v0  }
0x30: {  	[tilespmem:$0x320] =	vst v0  }
0x31: {  	[tilespmem:$0x330] =	vst v0  }
0x32: {  	[tilespmem:$0x340] =	vst v0  }
0x33: {  	[tilespmem:$0x350] =	vst v0  }
0x34: {  	[tilespmem:$0x360] =	vst v0  }
0x35: {  	[tilespmem:$0x370] =	vst v0  }
0x36: {  	[tilespmem:$0x380] =	vst v0  }
0x37: {  	[tilespmem:$0x390] =	vst v0  }
0x38: {  	[tilespmem:$0x3A0] =	vst v0  }
0x39: {  	[tilespmem:$0x3B0] =	vst v0  }
0x3a: {  	[tilespmem:$0x3C0] =	vst v0  }
0x3b: {  	[tilespmem:$0x3D0] =	vst v0  }
0x3c: {  	[tilespmem:$0x3E0] =	vst v0  }
0x3d: {  	[tilespmem:$0x3F0] =	vst v0  }
0x3e: {  	[tilespmem:$0x100] =	vst v1  }
0x3f: {  	[tilespmem:$0x110] =	vst v1  }
0x40: {  	[tilespmem:$0x120] =	vst v1  }
0x41: {  	[tilespmem:$0x130] =	vst v1  }
0x42: {  	[tilespmem:$0x140] =	vst v1  }
0x43: {  	[tilespmem:$0x150] =	vst v1  }
0x44: {  	[tilespmem:$0x160] =	vst v1  }
0x45: {  	[tilespmem:$0x170] =	vst v1  }
0x46: {  	[spmem:s4] =	stream.linear.scatter [tilespmem:s11], [sflag:$0x3], $0x280, $0x38;
	[tilespmem:$0x680] =	vst v63  }
0x47: {  	_ =	swait.ge [sflag:s12], $0x280  }
0x48: {  	[sflag:s12] =	ssyncset.done $0x0  }
0x49: {  	[sflag:s12] =	ssyncadd.s32 $0xFFFFFD80  }
0x4a: {  	[bflag:$0x0] =	sbarrier.arrive $0xFFFF  }
0x4b: {  	[tilespmem:s3], [sflag:$0x1] =	stream.linear.gather [hbm4b:s5+s3], $0x80, $0x38;
	[tilespmem:$0x680] =	vst v63  }
0x4c: {  	_ = 	snop  }
0x4d: {  	[tilespmem:s13], [sflag:$0x2] =	stream.linear.gather [hbm4b:s6+s3], $0x80, $0x38;
	[tilespmem:$0x680] =	vst v63  }
0x4e: {  	_ =	swait.ge [sflag:s14], $0x80  }
0x4f: {  	[sflag:s14] =	ssyncset.done $0x0  }
0x50: {  	[sflag:s14] =	ssyncadd.s32 $0xFFFFFF80  }
0x51: {  	[spmem:s1] =	stream.indirect.scatter.add.f32 [tilespmem:s15], [sflag:$0x3], $0x1, s3, s13, $0xb8;
	[tilespmem:$0x680] =	vst v63  }
0x52: {  	_ =	swait.ge [sflag:s12], $0x80  }
0x53: {  	[sflag:s12] =	ssyncset.done $0x0  }
0x54: {  	s22 =	sadd.s32 $0x0, s10;
	[sflag:s12] =	ssyncadd.s32 $0xFFFFFF80  }
0x55: {  	[tilespmem:s3], [sflag:$0x1] =	stream.linear.gather [hbm4b:s22+s3], $0x80, $0x38;
	[tilespmem:$0x680] =	vst v63  }
0x56: {  	_ =	swait.ge [sflag:s16], $0x80  }
0x57: {  	[sflag:s16] =	ssyncset.done $0x0  }
0x58: {  	[sflag:s16] =	ssyncadd.s32 $0xFFFFFF80  }
0x59: {  	[spmem:s1] =	stream.indirect.scatter.add.f32 [tilespmem:s15], [sflag:$0x3], $0x1, s13, s13, $0xb8;
	[tilespmem:$0x680] =	vst v63  }
0x5a: {  	_ =	swait.ge [sflag:s12], $0x80  }
0x5b: {  	[sflag:s12] =	ssyncset.done $0x0  }
0x5c: {  	s23 =	sadd.s32 $0x0, s9;
	s22 =	simm.s32 $0x200;
	[sflag:s12] =	ssyncadd.s32 $0xFFFFFF80  }
.LBB2_2:
0x5d: {  	[tilespmem:s13], [sflag:$0x2] =	stream.linear.gather [hbm4b:s23+s3], $0x80, $0x38;
	[tilespmem:$0x680] =	vst v63  }
0x5e: {  	s23 =	smov.u32 s22  }
0x5f: {  	p0 =	sne.s32 s22, $0x4C00;
	s22 =	sadd.s32 $0x200, s22;
	_ =	swait.ge [sflag:s14], $0x80  }
0x60: {  	[sflag:s14] =	ssyncset.done $0x0  }
0x61: {  	[sflag:s14] =	ssyncadd.s32 $0xFFFFFF80  }
0x62: {  	[spmem:s1] =	stream.indirect.scatter.add.f32 [tilespmem:s15], [sflag:$0x3], $0x1, s3, s13, $0xb8;
	[tilespmem:$0x680] =	vst v63  }
0x63: {  	_ =	swait.ge [sflag:s12], $0x80  }
0x64: {  	[sflag:s12] =	ssyncset.done $0x0  }
0x65: {  	s24 =	sadd.s32 s23, s10;
	[sflag:s12] =	ssyncadd.s32 $0xFFFFFF80  }
0x66: {  	[tilespmem:s3], [sflag:$0x1] =	stream.linear.gather [hbm4b:s24+s3], $0x80, $0x38;
	[tilespmem:$0x680] =	vst v63  }
0x67: {  	_ =	swait.ge [sflag:s16], $0x80  }
0x68: {  	[sflag:s16] =	ssyncset.done $0x0  }
.Ltmp0:
0x69: {  	[sflag:s16] =	ssyncadd.s32 $0xFFFFFF80;
	(pc) =	sbr.rel @p0 .LBB2_2-.Ltmp0, $4  }
0x6a: {  	[spmem:s1] =	stream.indirect.scatter.add.f32 [tilespmem:s15], [sflag:$0x3], $0x1, s13, s13, $0xb8;
	[tilespmem:$0x680] =	vst v63  }
0x6b: {  	_ =	swait.ge [sflag:s12], $0x80  }
0x6c: {  	[sflag:s12] =	ssyncset.done $0x0  }
0x6d: {  	s23 =	sadd.s32 s23, s9;
	[sflag:s12] =	ssyncadd.s32 $0xFFFFFF80  }
0x6e: {  	[tilespmem:s13], [sflag:$0x2] =	stream.linear.gather [hbm4b:s23+s3], $0x80, $0x38;
	[tilespmem:$0x680] =	vst v63  }
0x6f: {  	_ =	swait.ge [sflag:s14], $0x80  }
0x70: {  	[sflag:s14] =	ssyncset.done $0x0  }
0x71: {  	[sflag:s14] =	ssyncadd.s32 $0xFFFFFF80  }
0x72: {  	[spmem:s1] =	stream.indirect.scatter.add.f32 [tilespmem:s15], [sflag:$0x3], $0x1, s3, s13, $0xb8;
	[tilespmem:$0x680] =	vst v63  }
0x73: {  	_ =	swait.ge [sflag:s12], $0x80  }
0x74: {  	[sflag:s12] =	ssyncset.done $0x0  }
0x75: {  	[sflag:s12] =	ssyncadd.s32 $0xFFFFFF80  }
0x76: {  	_ =	swait.ge [sflag:s16], $0x80  }
0x77: {  	[sflag:s16] =	ssyncset.done $0x0  }
0x78: {  	[sflag:s16] =	ssyncadd.s32 $0xFFFFFF80  }
0x79: {  	[spmem:s1] =	stream.indirect.scatter.add.f32 [tilespmem:s15], [sflag:$0x3], $0x1, s13, s13, $0xb8;
	[tilespmem:$0x680] =	vst v63  }
0x7a: {  	_ =	swait.ge [sflag:s12], $0x80  }
0x7b: {  	s21 =	sadd.s32 $0x1, s21;
	[sflag:s12] =	ssyncset.done $0x0  }
0x7c: {  	p0 =	sne.s32 s21, s8;
	[sflag:s12] =	ssyncadd.s32 $0xFFFFFF80  }
.Ltmp1:
0x7d: {  	[bflag:$0x0] =	sbarrier.arrive $0xFFFF;
	(pc) =	sbr.rel @p0 .LBB2_1-.Ltmp1, $4  }
0x7e: {  	[hbm:s7@s19], [sflag:s17] =	dma.strided [spmem:s18@s20], $0x50, s14, $0x10   }
0x7f: {  	_ =	swait.ge [sflag:s12], $0x50  }
0x80: {  	[sflag:s12] =	ssyncset.done $0x0  }
0x81: {  	[sflag:s12] =	ssyncadd.s32 $0xFFFFFFB0  }
0x82: {  	_ =	sfence.sel $0x180000  }
0x83: {  	[bflag:$0x0] =	sbarrier.arrive $0xFFFF  }
0x84: {  	p0 =	sne.s32 s2, $0x0;
	_ =	strace $0x90000047  }
0x85: {  	s0 =	sadd.s32 @!p0 $0x100000, s0;
	[bflag:$0x2] =	sbarrier.arrive $0xFFFF  }
0x86: {  	[sflag:s0] =	ssyncadd.tile.s32 @!p0 $0x1;
	_ =	shalt  }
.Lfunc_end2:
_tile_overlayer_lowered:
.L_overlay_start_2:
0x87: {  	(tag) =	ssettag $0x2  }
0x88: {  	s0 =	rddreg [dreg:$0x0];
	s2 =	stileid.u32  }
0x89: {  	s1 =	rddreg [dreg:$0x1];
	p0 =	sne.s32 s2, $0x0  }
0x8a: {  	s3 =	rddreg [dreg:$0x2];
	[bflag:$0x3] =	sbarrier.arrive $0xFFFF;
	s2 =	simm.s32 @!p0 $0x1C03  }
0x8b: {  	[timem:s3], [sflag:s2] =	dma.local @!p0 [hbm:s0], s1  }
0x8c: {  	s0 =	simm.s32 @!p0 $0x3  }
0x8d: {  	_ =	swait.ge @!p0 [sflag:s0], s1  }
0x8e: {  	s1 =	ssub.s32 @!p0 $0x0, s1;
	[sflag:s0] =	ssyncset.done @!p0 $0x0  }
0x8f: {  	[sflag:s0] =	ssyncadd.s32 @!p0 s1  }
0x90: {  	[bflag:$0x3] =	sbarrier.arrive $0xFFFF  }
0x91: {  	_ =	shalt  }

</sc_bundles>
